<compile_context>
chip_gen: v7x
topology: tpu7x:2x2x1
jax: 0.10.2.dev20260603
libtpu: 0.0.44.dev20260713+nightly
codegen_flags: <defaults>
</compile_context>

<pallas_src>
import functools
import math

import jax
import jax.numpy as jnp
from jax import lax
from jax.experimental import pallas as pl
from jax.experimental.pallas import tpu as pltpu
from jax.experimental.pallas import tpu_sc as plsc

VOCAB = 1000000
EMBED = 64
WINDOW = 200
BATCH = 4096

NUM_CORES = 2
NUM_SUBCORES = 16
NUM_WORKERS = NUM_CORES * NUM_SUBCORES

PADROW = 2 * EMBED
ROWS_PER_WORKER = BATCH // NUM_WORKERS
HALF = WINDOW // 2
SCALE = math.sqrt(EMBED)


def _tc_row_image(tT):
    CB = 16384

    def body(in_ref, out_ref):
        eye = jnp.eye(EMBED, dtype=jnp.float32)
        t = lax.dot_general(in_ref[...], eye, (((0,), (0,)), ((), ())),
                            preferred_element_type=jnp.float32)
        out_ref[...] = jnp.concatenate([t, t], axis=1)

    return pl.pallas_call(
        body,
        grid=((VOCAB + CB - 1) // CB,),
        in_specs=[pl.BlockSpec((EMBED, CB), lambda j: (0, j))],
        out_specs=pl.BlockSpec((CB, PADROW), lambda j: (j, 0)),
        out_shape=jax.ShapeDtypeStruct((VOCAB, PADROW), jnp.float32),
    )(tT)


def _sc_embed(x2, t2b, pos_enc):
    mesh = plsc.VectorSubcoreMesh(core_axis_name="c", subcore_axis_name="s")

    @functools.partial(
        pl.kernel,
        mesh=mesh,
        compiler_params=pltpu.CompilerParams(use_tc_tiling_on_sc=False,
                                             needs_layout_passes=False),
        out_type=jax.ShapeDtypeStruct((BATCH, WINDOW, PADROW), jnp.float32),
        scratch_types=[
            pltpu.VMEM((2 * ROWS_PER_WORKER, HALF), jnp.int32),
            pltpu.VMEM((WINDOW, EMBED), jnp.float32),
            pltpu.VMEM((2, WINDOW, EMBED), jnp.float32),
            pltpu.SemaphoreType.DMA,
            pltpu.SemaphoreType.DMA,
        ],
    )
    def k(x_hbm, t2_hbm, pos_hbm, out_hbm, idx_all, pos_v, gbuf,
          sem_g, sem_s):
        wid = lax.axis_index("s") * NUM_CORES + lax.axis_index("c")
        r0 = wid * ROWS_PER_WORKER

        pltpu.sync_copy(pos_hbm, pos_v)
        pltpu.sync_copy(x_hbm.at[pl.ds(2 * r0, 2 * ROWS_PER_WORKER)],
                        idx_all)

        def start_gather(u, p):
            pltpu.async_copy(t2_hbm.at[idx_all.at[2 * u]],
                             gbuf.at[p, pl.ds(0, HALF)], sem_g)
            pltpu.async_copy(t2_hbm.at[idx_all.at[2 * u + 1]],
                             gbuf.at[p, pl.ds(HALF, HALF)], sem_g)

        def wait_gather(p):
            pltpu.make_async_copy(t2_hbm.at[pl.ds(0, WINDOW)], gbuf.at[p],
                                  sem_g).wait()

        def start_scatter(u, p):
            pltpu.async_copy(
                gbuf.at[p],
                out_hbm.at[r0 + u, pl.ds(0, WINDOW), pl.ds(0, EMBED)], sem_s)

        def wait_scatter(p):
            pltpu.make_async_copy(
                gbuf.at[p],
                out_hbm.at[0, pl.ds(0, WINDOW), pl.ds(0, EMBED)],
                sem_s).wait()

        def compute(p):
            def rows(r2, _):
                for dr in range(2):
                    r = r2 * 2 + dr
                    for q in range(EMBED // 16):
                        v = gbuf[p, r, pl.ds(q * 16, 16)]
                        po = pos_v[r, pl.ds(q * 16, 16)]
                        gbuf[p, r, pl.ds(q * 16, 16)] = v * SCALE + po
                return 0

            lax.fori_loop(0, WINDOW // 2, rows, 0)

        start_gather(0, 0)
        wait_gather(0)
        start_gather(1, 1)
        compute(0)
        start_scatter(0, 0)
        wait_gather(1)
        wait_scatter(0)
        start_gather(2, 0)
        compute(1)
        start_scatter(1, 1)

        def body(t, _):
            for dr in range(2):
                u = t * 2 + dr
                p = dr
                wait_gather(p)
                wait_scatter(1 - p)
                start_gather(u + 1, 1 - p)
                compute(p)
                start_scatter(u, p)
            return 0

        lax.fori_loop(1, ROWS_PER_WORKER // 2 - 1, body, 0)

        wait_gather(0)
        wait_scatter(1)
        start_gather(ROWS_PER_WORKER - 1, 1)
        compute(0)
        start_scatter(ROWS_PER_WORKER - 2, 0)
        wait_gather(1)
        compute(1)
        start_scatter(ROWS_PER_WORKER - 1, 1)

        wait_scatter(0)
        wait_scatter(1)

    return k(x2, t2b, pos_enc)


def kernel(x, table, pos_enc):
    x2 = (x.astype(jnp.int32) * 2).reshape(2 * BATCH, HALF)
    t2 = _tc_row_image(jnp.transpose(table))
    t2b = t2.reshape(2 * VOCAB, EMBED)
    out = _sc_embed(x2, t2b, pos_enc)
    return out[:, :, :EMBED]

# --- scband reference (transcript-rebuilt; emitter-appended) ---
"""Pipeline reference for scband-positional-encoding-70471823392899 (READ-ONLY COPY).

The authoritative reference and input builder live on the scoring server;
editing this copy changes nothing except your own understanding.
"""

import math
import jax, jax.numpy as jnp
import numpy as np

VOCAB = 1000000
EMBED = 64
WINDOW = 200
BATCH = 4096


def positional_encoding(length, depth):
    d = depth // 2
    positions = jnp.arange(length, dtype=jnp.float32)[:, None]
    depths = jnp.arange(d, dtype=jnp.float32)[None, :] / d
    angle_rates = 1.0 / (10000.0 ** depths)
    angle_rads = positions * angle_rates
    return jnp.concatenate([jnp.sin(angle_rads), jnp.cos(angle_rads)], axis=1)


def setup_inputs(seed: int = 0) -> dict:
    key = jax.random.key(seed)
    k1, k2 = jax.random.split(key)
    x = jax.random.randint(k1, (BATCH, WINDOW), 0, VOCAB, dtype=jnp.int64 if jax.config.jax_enable_x64 else jnp.int32)
    # nn.Embedding default init: N(0, 1)
    table = jax.random.normal(k2, (VOCAB, EMBED), dtype=jnp.float32)
    pos_enc = positional_encoding(WINDOW, EMBED)
    return {"x": x, "table": table, "pos_enc": pos_enc}


def reference(x, table, pos_enc):
    # 1. embed
    emb = jnp.take(table, x, axis=0)  # [B, W, E]
    # 2. scale
    emb = emb * math.sqrt(EMBED)
    # 3. add positional encoding broadcast over batch
    emb = emb + pos_enc[None, :, :]
    # 4. dropout is identity in eval mode
    return emb

if __name__ == "__main__":
    import jax
    _d = setup_inputs()
    print(jax.jit(kernel)(*tuple(_d.values())))

</pallas_src>

<mosaic_0001>
#map = affine_map<(d0, d1) -> (0, 0)>
#map1 = affine_map<(d0, d1) -> (0, 0, 0)>
module attributes {stable_mosaic.version = 14 : i64} {
  func.func @k(%arg0: i32, %arg1: i32, %arg2: memref<8192x100xi32, #tpu.memory_space<hbm>>, %arg3: memref<2000000x64xf32, #tpu.memory_space<hbm>>, %arg4: memref<200x64xf32, #tpu.memory_space<hbm>>, %arg5: memref<4096x200x128xf32, #tpu.memory_space<hbm>>, %arg6: memref<256x100xi32, #tpu.memory_space<vmem>>, %arg7: memref<200x64xf32, #tpu.memory_space<vmem>>, %arg8: memref<2x200x64xf32, #tpu.memory_space<vmem>>, %arg9: memref<!tpu.dma_semaphore, #tpu.memory_space<semaphore_mem>>, %arg10: memref<!tpu.dma_semaphore, #tpu.memory_space<semaphore_mem>>) attributes {dimension_semantics = [#tpu.dimension_semantics<core_parallel>, #tpu.dimension_semantics<subcore_parallel>], iteration_bounds = array<i64: 2, 16>, scalar_prefetch = 0 : i64, scratch_operands = 5 : i64, tpu.core_type = #tpu.core_type<sc_vector_subcore>, window_params = [{transform_indices = #map}, {transform_indices = #map}, {transform_indices = #map}, {transform_indices = #map1}]} {
    %mul3A = arith.constant 2 : i32
    %mul3A_0 = arith.muli %arg1, %mul3A : i32
    %add3A = arith.addi %mul3A_0, %arg0 : i32
    %mul3A_1 = arith.constant 128 : i32
    %mul3A_2 = arith.muli %add3A, %mul3A_1 : i32
    "tpu.region"() ({
      %run_scoped3A = tpu.sem_alloc : memref<!tpu.dma_semaphore, #tpu.memory_space<semaphore_mem>>
      tpu.enqueue_dma source(%arg4 : memref<200x64xf32, #tpu.memory_space<hbm>>) target(%arg7 : memref<200x64xf32, #tpu.memory_space<vmem>>) target_semaphore(%run_scoped3A : memref<!tpu.dma_semaphore, #tpu.memory_space<semaphore_mem>>)
      tpu.wait_dma2 semaphore(%run_scoped3A : memref<!tpu.dma_semaphore, #tpu.memory_space<semaphore_mem>>) src(%arg4 : memref<200x64xf32, #tpu.memory_space<hbm>>) dst(%arg7 : memref<200x64xf32, #tpu.memory_space<vmem>>)
      tpu.yield
    }) : () -> ()
    %mul3A_3 = arith.constant 2 : i32
    %mul3A_4 = arith.muli %mul3A_3, %mul3A_2 : i32
    "tpu.region"() ({
      %run_scoped3A = tpu.sem_alloc : memref<!tpu.dma_semaphore, #tpu.memory_space<semaphore_mem>>
      %dma_start3A_341 = arith.constant 0 : i32
      %dma_start3A_342 = tpu.memref_slice %arg2[%mul3A_4, %dma_start3A_341] : memref<8192x100xi32, #tpu.memory_space<hbm>> -> memref<256x100xi32, #tpu.memory_space<hbm>>
      %dma_start3A_343 = arith.constant 0 : i32
      %dma_start3A_344 = tpu.memref_slice %arg2[%mul3A_4, %dma_start3A_343] : memref<8192x100xi32, #tpu.memory_space<hbm>> -> memref<256x100xi32, #tpu.memory_space<hbm>>
      tpu.enqueue_dma source(%dma_start3A_344 : memref<256x100xi32, #tpu.memory_space<hbm>>) target(%arg6 : memref<256x100xi32, #tpu.memory_space<vmem>>) target_semaphore(%run_scoped3A : memref<!tpu.dma_semaphore, #tpu.memory_space<semaphore_mem>>)
      %dma_wait3A_345 = arith.constant 0 : i32
      %dma_wait3A_346 = tpu.memref_slice %arg2[%mul3A_4, %dma_wait3A_345] : memref<8192x100xi32, #tpu.memory_space<hbm>> -> memref<256x100xi32, #tpu.memory_space<hbm>>
      %dma_wait3A_347 = arith.constant 0 : i32
      %dma_wait3A_348 = tpu.memref_slice %arg2[%mul3A_4, %dma_wait3A_347] : memref<8192x100xi32, #tpu.memory_space<hbm>> -> memref<256x100xi32, #tpu.memory_space<hbm>>
      tpu.wait_dma2 semaphore(%run_scoped3A : memref<!tpu.dma_semaphore, #tpu.memory_space<semaphore_mem>>) src(%dma_wait3A_348 : memref<256x100xi32, #tpu.memory_space<hbm>>) dst(%arg6 : memref<256x100xi32, #tpu.memory_space<vmem>>)
      tpu.yield
    }) : () -> ()
    %dma_start3A = arith.constant 0 : i32
    %dma_start3A_5 = arith.constant 0 : i32
    %dma_start3A_6 = arith.constant 0 : i32
    %dma_start3A_7 = arith.constant 0 : i32
    %dma_start3A_8 = tpu.memref_slice %arg8[%dma_start3A_5, %dma_start3A_6, %dma_start3A_7] : memref<2x200x64xf32, #tpu.memory_space<vmem>> -> memref<1x100x64xf32, #tpu.memory_space<vmem>>
    %dma_start3A_9 = tpu.memref_squeeze %dma_start3A_8 : memref<1x100x64xf32, #tpu.memory_space<vmem>> -> memref<100x64xf32, #tpu.memory_space<vmem>>
    %dma_start3A_10 = arith.constant 0 : i32
    %dma_start3A_11 = tpu.memref_slice %arg6[%dma_start3A, %dma_start3A_10] : memref<256x100xi32, #tpu.memory_space<vmem>> -> memref<1x100xi32, #tpu.memory_space<vmem>>
    %dma_start3A_12 = tpu.memref_squeeze %dma_start3A_11 : memref<1x100xi32, #tpu.memory_space<vmem>> -> memref<100xi32, #tpu.memory_space<vmem>>
    %dma_start3A_13 = arith.constant 0 : i32
    %dma_start3A_14 = arith.constant 0 : i32
    %dma_start3A_15 = tpu.memref_slice %arg3[%dma_start3A_13, %dma_start3A_14] : memref<2000000x64xf32, #tpu.memory_space<hbm>> -> memref<2000000x64xf32, #tpu.memory_space<hbm>>
    tpu.enqueue_indirect_dma source(%dma_start3A_15 : memref<2000000x64xf32, #tpu.memory_space<hbm>>) target(%dma_start3A_9 : memref<100x64xf32, #tpu.memory_space<vmem>>) offsets(%dma_start3A_12 : memref<100xi32, #tpu.memory_space<vmem>>) semaphore(%arg9 : memref<!tpu.dma_semaphore, #tpu.memory_space<semaphore_mem>>)
    %dma_start3A_16 = arith.constant 1 : i32
    %dma_start3A_17 = arith.constant 0 : i32
    %dma_start3A_18 = arith.constant 100 : i32
    %dma_start3A_19 = arith.constant 0 : i32
    %dma_start3A_20 = tpu.memref_slice %arg8[%dma_start3A_17, %dma_start3A_18, %dma_start3A_19] : memref<2x200x64xf32, #tpu.memory_space<vmem>> -> memref<1x100x64xf32, #tpu.memory_space<vmem>>
    %dma_start3A_21 = tpu.memref_squeeze %dma_start3A_20 : memref<1x100x64xf32, #tpu.memory_space<vmem>> -> memref<100x64xf32, #tpu.memory_space<vmem>>
    %dma_start3A_22 = arith.constant 0 : i32
    %dma_start3A_23 = tpu.memref_slice %arg6[%dma_start3A_16, %dma_start3A_22] : memref<256x100xi32, #tpu.memory_space<vmem>> -> memref<1x100xi32, #tpu.memory_space<vmem>>
    %dma_start3A_24 = tpu.memref_squeeze %dma_start3A_23 : memref<1x100xi32, #tpu.memory_space<vmem>> -> memref<100xi32, #tpu.memory_space<vmem>>
    %dma_start3A_25 = arith.constant 0 : i32
    %dma_start3A_26 = arith.constant 0 : i32
    %dma_start3A_27 = tpu.memref_slice %arg3[%dma_start3A_25, %dma_start3A_26] : memref<2000000x64xf32, #tpu.memory_space<hbm>> -> memref<2000000x64xf32, #tpu.memory_space<hbm>>
    tpu.enqueue_indirect_dma source(%dma_start3A_27 : memref<2000000x64xf32, #tpu.memory_space<hbm>>) target(%dma_start3A_21 : memref<100x64xf32, #tpu.memory_space<vmem>>) offsets(%dma_start3A_24 : memref<100xi32, #tpu.memory_space<vmem>>) semaphore(%arg9 : memref<!tpu.dma_semaphore, #tpu.memory_space<semaphore_mem>>)
    %dma_wait3A = arith.constant 0 : i32
    %dma_wait3A_28 = arith.constant 0 : i32
    %dma_wait3A_29 = arith.constant 0 : i32
    %dma_wait3A_30 = tpu.memref_slice %arg8[%dma_wait3A, %dma_wait3A_28, %dma_wait3A_29] : memref<2x200x64xf32, #tpu.memory_space<vmem>> -> memref<1x200x64xf32, #tpu.memory_space<vmem>>
    %dma_wait3A_31 = tpu.memref_squeeze %dma_wait3A_30 : memref<1x200x64xf32, #tpu.memory_space<vmem>> -> memref<200x64xf32, #tpu.memory_space<vmem>>
    %dma_wait3A_32 = arith.constant 0 : i32
    %dma_wait3A_33 = arith.constant 0 : i32
    %dma_wait3A_34 = tpu.memref_slice %arg3[%dma_wait3A_32, %dma_wait3A_33] : memref<2000000x64xf32, #tpu.memory_space<hbm>> -> memref<200x64xf32, #tpu.memory_space<hbm>>
    %dma_wait3A_35 = arith.constant 0 : i32
    %dma_wait3A_36 = arith.constant 0 : i32
    %dma_wait3A_37 = tpu.memref_slice %arg8[%dma_wait3A, %dma_wait3A_35, %dma_wait3A_36] : memref<2x200x64xf32, #tpu.memory_space<vmem>> -> memref<1x200x64xf32, #tpu.memory_space<vmem>>
    %dma_wait3A_38 = tpu.memref_squeeze %dma_wait3A_37 : memref<1x200x64xf32, #tpu.memory_space<vmem>> -> memref<200x64xf32, #tpu.memory_space<vmem>>
    %dma_wait3A_39 = arith.constant 0 : i32
    %dma_wait3A_40 = arith.constant 0 : i32
    %dma_wait3A_41 = tpu.memref_slice %arg3[%dma_wait3A_39, %dma_wait3A_40] : memref<2000000x64xf32, #tpu.memory_space<hbm>> -> memref<200x64xf32, #tpu.memory_space<hbm>>
    tpu.wait_dma2 semaphore(%arg9 : memref<!tpu.dma_semaphore, #tpu.memory_space<semaphore_mem>>) src(%dma_wait3A_41 : memref<200x64xf32, #tpu.memory_space<hbm>>) dst(%dma_wait3A_38 : memref<200x64xf32, #tpu.memory_space<vmem>>)
    %dma_start3A_42 = arith.constant 2 : i32
    %dma_start3A_43 = arith.constant 1 : i32
    %dma_start3A_44 = arith.constant 0 : i32
    %dma_start3A_45 = arith.constant 0 : i32
    %dma_start3A_46 = tpu.memref_slice %arg8[%dma_start3A_43, %dma_start3A_44, %dma_start3A_45] : memref<2x200x64xf32, #tpu.memory_space<vmem>> -> memref<1x100x64xf32, #tpu.memory_space<vmem>>
    %dma_start3A_47 = tpu.memref_squeeze %dma_start3A_46 : memref<1x100x64xf32, #tpu.memory_space<vmem>> -> memref<100x64xf32, #tpu.memory_space<vmem>>
    %dma_start3A_48 = arith.constant 0 : i32
    %dma_start3A_49 = tpu.memref_slice %arg6[%dma_start3A_42, %dma_start3A_48] : memref<256x100xi32, #tpu.memory_space<vmem>> -> memref<1x100xi32, #tpu.memory_space<vmem>>
    %dma_start3A_50 = tpu.memref_squeeze %dma_start3A_49 : memref<1x100xi32, #tpu.memory_space<vmem>> -> memref<100xi32, #tpu.memory_space<vmem>>
    %dma_start3A_51 = arith.constant 0 : i32
    %dma_start3A_52 = arith.constant 0 : i32
    %dma_start3A_53 = tpu.memref_slice %arg3[%dma_start3A_51, %dma_start3A_52] : memref<2000000x64xf32, #tpu.memory_space<hbm>> -> memref<2000000x64xf32, #tpu.memory_space<hbm>>
    tpu.enqueue_indirect_dma source(%dma_start3A_53 : memref<2000000x64xf32, #tpu.memory_space<hbm>>) target(%dma_start3A_47 : memref<100x64xf32, #tpu.memory_space<vmem>>) offsets(%dma_start3A_50 : memref<100xi32, #tpu.memory_space<vmem>>) semaphore(%arg9 : memref<!tpu.dma_semaphore, #tpu.memory_space<semaphore_mem>>)
    %dma_start3A_54 = arith.constant 3 : i32
    %dma_start3A_55 = arith.constant 1 : i32
    %dma_start3A_56 = arith.constant 100 : i32
    %dma_start3A_57 = arith.constant 0 : i32
    %dma_start3A_58 = tpu.memref_slice %arg8[%dma_start3A_55, %dma_start3A_56, %dma_start3A_57] : memref<2x200x64xf32, #tpu.memory_space<vmem>> -> memref<1x100x64xf32, #tpu.memory_space<vmem>>
    %dma_start3A_59 = tpu.memref_squeeze %dma_start3A_58 : memref<1x100x64xf32, #tpu.memory_space<vmem>> -> memref<100x64xf32, #tpu.memory_space<vmem>>
    %dma_start3A_60 = arith.constant 0 : i32
    %dma_start3A_61 = tpu.memref_slice %arg6[%dma_start3A_54, %dma_start3A_60] : memref<256x100xi32, #tpu.memory_space<vmem>> -> memref<1x100xi32, #tpu.memory_space<vmem>>
    %dma_start3A_62 = tpu.memref_squeeze %dma_start3A_61 : memref<1x100xi32, #tpu.memory_space<vmem>> -> memref<100xi32, #tpu.memory_space<vmem>>
    %dma_start3A_63 = arith.constant 0 : i32
    %dma_start3A_64 = arith.constant 0 : i32
    %dma_start3A_65 = tpu.memref_slice %arg3[%dma_start3A_63, %dma_start3A_64] : memref<2000000x64xf32, #tpu.memory_space<hbm>> -> memref<2000000x64xf32, #tpu.memory_space<hbm>>
    tpu.enqueue_indirect_dma source(%dma_start3A_65 : memref<2000000x64xf32, #tpu.memory_space<hbm>>) target(%dma_start3A_59 : memref<100x64xf32, #tpu.memory_space<vmem>>) offsets(%dma_start3A_62 : memref<100xi32, #tpu.memory_space<vmem>>) semaphore(%arg9 : memref<!tpu.dma_semaphore, #tpu.memory_space<semaphore_mem>>)
    %scan3A = arith.constant 0 : i32
    %scan3A_66 = arith.constant 0 : i32
    %scan3A_67 = arith.constant 100 : i32
    %scan3A_68 = arith.addi %scan3A_66, %scan3A_67 : i32
    %scan3A_69 = arith.constant 1 : i32
    %scan3A_70 = scf.for %scan3A_341 = %scan3A_66 to %scan3A_68 step %scan3A_69 iter_args(%scan3A_342 = %scan3A) -> (i32)  : i32 {
      %mul3A_343 = arith.constant 2 : i32
      %mul3A_344 = arith.muli %scan3A_341, %mul3A_343 : i32
      %add3A_345 = arith.constant 0 : i32
      %add3A_346 = arith.addi %mul3A_344, %add3A_345 : i32
      %get3A = arith.constant 0 : i32
      %get3A_347 = arith.index_cast %get3A : i32 to index
      %get3A_348 = arith.index_cast %add3A_346 : i32 to index
      %get3A_349 = arith.constant 0 : index
      %get3A_350 = tpu.vector_load %arg8[%get3A_347, %get3A_348, %get3A_349] {strides = array<i32>} : memref<2x200x64xf32, #tpu.memory_space<vmem>>, vector<16xf32>,
      %get3A_351 = arith.index_cast %add3A_346 : i32 to index
      %get3A_352 = arith.constant 0 : index
      %get3A_353 = tpu.vector_load %arg7[%get3A_351, %get3A_352] {strides = array<i32>} : memref<200x64xf32, #tpu.memory_space<vmem>>, vector<16xf32>,
      %mul3A_354 = arith.constant 8.000000e+00 : f32
      %mul3A_355 = vector.broadcast %mul3A_354 : f32 to vector<16xf32>
      %mul3A_356 = arith.mulf %get3A_350, %mul3A_355 : vector<16xf32>
      %add3A_357 = arith.addf %mul3A_356, %get3A_353 : vector<16xf32>
      %swap3A = arith.constant 0 : i32
      %swap3A_358 = arith.index_cast %swap3A : i32 to index
      %swap3A_359 = arith.index_cast %add3A_346 : i32 to index
      %swap3A_360 = arith.constant 0 : index
      %swap3A_361 = tpu.vector_load %arg8[%swap3A_358, %swap3A_359, %swap3A_360] {strides = array<i32>} : memref<2x200x64xf32, #tpu.memory_space<vmem>>, vector<16xf32>,
      tpu.vector_store %arg8[%swap3A_358, %swap3A_359, %swap3A_360], %add3A_357 {strides = array<i32>} : memref<2x200x64xf32, #tpu.memory_space<vmem>>, vector<16xf32>,
      %get3A_362 = arith.constant 0 : i32
      %get3A_363 = arith.index_cast %get3A_362 : i32 to index
      %get3A_364 = arith.index_cast %add3A_346 : i32 to index
      %get3A_365 = arith.constant 16 : index
      %get3A_366 = tpu.vector_load %arg8[%get3A_363, %get3A_364, %get3A_365] {strides = array<i32>} : memref<2x200x64xf32, #tpu.memory_space<vmem>>, vector<16xf32>,
      %get3A_367 = arith.index_cast %add3A_346 : i32 to index
      %get3A_368 = arith.constant 16 : index
      %get3A_369 = tpu.vector_load %arg7[%get3A_367, %get3A_368] {strides = array<i32>} : memref<200x64xf32, #tpu.memory_space<vmem>>, vector<16xf32>,
      %mul3A_370 = arith.constant 8.000000e+00 : f32
      %mul3A_371 = vector.broadcast %mul3A_370 : f32 to vector<16xf32>
      %mul3A_372 = arith.mulf %get3A_366, %mul3A_371 : vector<16xf32>
      %add3A_373 = arith.addf %mul3A_372, %get3A_369 : vector<16xf32>
      %swap3A_374 = arith.constant 0 : i32
      %swap3A_375 = arith.index_cast %swap3A_374 : i32 to index
      %swap3A_376 = arith.index_cast %add3A_346 : i32 to index
      %swap3A_377 = arith.constant 16 : index
      %swap3A_378 = tpu.vector_load %arg8[%swap3A_375, %swap3A_376, %swap3A_377] {strides = array<i32>} : memref<2x200x64xf32, #tpu.memory_space<vmem>>, vector<16xf32>,
      tpu.vector_store %arg8[%swap3A_375, %swap3A_376, %swap3A_377], %add3A_373 {strides = array<i32>} : memref<2x200x64xf32, #tpu.memory_space<vmem>>, vector<16xf32>,
      %get3A_379 = arith.constant 0 : i32
      %get3A_380 = arith.index_cast %get3A_379 : i32 to index
      %get3A_381 = arith.index_cast %add3A_346 : i32 to index
      %get3A_382 = arith.constant 32 : index
      %get3A_383 = tpu.vector_load %arg8[%get3A_380, %get3A_381, %get3A_382] {strides = array<i32>} : memref<2x200x64xf32, #tpu.memory_space<vmem>>, vector<16xf32>,
      %get3A_384 = arith.index_cast %add3A_346 : i32 to index
      %get3A_385 = arith.constant 32 : index
      %get3A_386 = tpu.vector_load %arg7[%get3A_384, %get3A_385] {strides = array<i32>} : memref<200x64xf32, #tpu.memory_space<vmem>>, vector<16xf32>,
      %mul3A_387 = arith.constant 8.000000e+00 : f32
      %mul3A_388 = vector.broadcast %mul3A_387 : f32 to vector<16xf32>
      %mul3A_389 = arith.mulf %get3A_383, %mul3A_388 : vector<16xf32>
      %add3A_390 = arith.addf %mul3A_389, %get3A_386 : vector<16xf32>
      %swap3A_391 = arith.constant 0 : i32
      %swap3A_392 = arith.index_cast %swap3A_391 : i32 to index
      %swap3A_393 = arith.index_cast %add3A_346 : i32 to index
      %swap3A_394 = arith.constant 32 : index
      %swap3A_395 = tpu.vector_load %arg8[%swap3A_392, %swap3A_393, %swap3A_394] {strides = array<i32>} : memref<2x200x64xf32, #tpu.memory_space<vmem>>, vector<16xf32>,
      tpu.vector_store %arg8[%swap3A_392, %swap3A_393, %swap3A_394], %add3A_390 {strides = array<i32>} : memref<2x200x64xf32, #tpu.memory_space<vmem>>, vector<16xf32>,
      %get3A_396 = arith.constant 0 : i32
      %get3A_397 = arith.index_cast %get3A_396 : i32 to index
      %get3A_398 = arith.index_cast %add3A_346 : i32 to index
      %get3A_399 = arith.constant 48 : index
      %get3A_400 = tpu.vector_load %arg8[%get3A_397, %get3A_398, %get3A_399] {strides = array<i32>} : memref<2x200x64xf32, #tpu.memory_space<vmem>>, vector<16xf32>,
      %get3A_401 = arith.index_cast %add3A_346 : i32 to index
      %get3A_402 = arith.constant 48 : index
      %get3A_403 = tpu.vector_load %arg7[%get3A_401, %get3A_402] {strides = array<i32>} : memref<200x64xf32, #tpu.memory_space<vmem>>, vector<16xf32>,
      %mul3A_404 = arith.constant 8.000000e+00 : f32
      %mul3A_405 = vector.broadcast %mul3A_404 : f32 to vector<16xf32>
      %mul3A_406 = arith.mulf %get3A_400, %mul3A_405 : vector<16xf32>
      %add3A_407 = arith.addf %mul3A_406, %get3A_403 : vector<16xf32>
      %swap3A_408 = arith.constant 0 : i32
      %swap3A_409 = arith.index_cast %swap3A_408 : i32 to index
      %swap3A_410 = arith.index_cast %add3A_346 : i32 to index
      %swap3A_411 = arith.constant 48 : index
      %swap3A_412 = tpu.vector_load %arg8[%swap3A_409, %swap3A_410, %swap3A_411] {strides = array<i32>} : memref<2x200x64xf32, #tpu.memory_space<vmem>>, vector<16xf32>,
      tpu.vector_store %arg8[%swap3A_409, %swap3A_410, %swap3A_411], %add3A_407 {strides = array<i32>} : memref<2x200x64xf32, #tpu.memory_space<vmem>>, vector<16xf32>,
      %mul3A_413 = arith.constant 2 : i32
      %mul3A_414 = arith.muli %scan3A_341, %mul3A_413 : i32
      %add3A_415 = arith.constant 1 : i32
      %add3A_416 = arith.addi %mul3A_414, %add3A_415 : i32
      %get3A_417 = arith.constant 0 : i32
      %get3A_418 = arith.index_cast %get3A_417 : i32 to index
      %get3A_419 = arith.index_cast %add3A_416 : i32 to index
      %get3A_420 = arith.constant 0 : index
      %get3A_421 = tpu.vector_load %arg8[%get3A_418, %get3A_419, %get3A_420] {strides = array<i32>} : memref<2x200x64xf32, #tpu.memory_space<vmem>>, vector<16xf32>,
      %get3A_422 = arith.index_cast %add3A_416 : i32 to index
      %get3A_423 = arith.constant 0 : index
      %get3A_424 = tpu.vector_load %arg7[%get3A_422, %get3A_423] {strides = array<i32>} : memref<200x64xf32, #tpu.memory_space<vmem>>, vector<16xf32>,
      %mul3A_425 = arith.constant 8.000000e+00 : f32
      %mul3A_426 = vector.broadcast %mul3A_425 : f32 to vector<16xf32>
      %mul3A_427 = arith.mulf %get3A_421, %mul3A_426 : vector<16xf32>
      %add3A_428 = arith.addf %mul3A_427, %get3A_424 : vector<16xf32>
      %swap3A_429 = arith.constant 0 : i32
      %swap3A_430 = arith.index_cast %swap3A_429 : i32 to index
      %swap3A_431 = arith.index_cast %add3A_416 : i32 to index
      %swap3A_432 = arith.constant 0 : index
      %swap3A_433 = tpu.vector_load %arg8[%swap3A_430, %swap3A_431, %swap3A_432] {strides = array<i32>} : memref<2x200x64xf32, #tpu.memory_space<vmem>>, vector<16xf32>,
      tpu.vector_store %arg8[%swap3A_430, %swap3A_431, %swap3A_432], %add3A_428 {strides = array<i32>} : memref<2x200x64xf32, #tpu.memory_space<vmem>>, vector<16xf32>,
      %get3A_434 = arith.constant 0 : i32
      %get3A_435 = arith.index_cast %get3A_434 : i32 to index
      %get3A_436 = arith.index_cast %add3A_416 : i32 to index
      %get3A_437 = arith.constant 16 : index
      %get3A_438 = tpu.vector_load %arg8[%get3A_435, %get3A_436, %get3A_437] {strides = array<i32>} : memref<2x200x64xf32, #tpu.memory_space<vmem>>, vector<16xf32>,
      %get3A_439 = arith.index_cast %add3A_416 : i32 to index
      %get3A_440 = arith.constant 16 : index
      %get3A_441 = tpu.vector_load %arg7[%get3A_439, %get3A_440] {strides = array<i32>} : memref<200x64xf32, #tpu.memory_space<vmem>>, vector<16xf32>,
      %mul3A_442 = arith.constant 8.000000e+00 : f32
      %mul3A_443 = vector.broadcast %mul3A_442 : f32 to vector<16xf32>
      %mul3A_444 = arith.mulf %get3A_438, %mul3A_443 : vector<16xf32>
      %add3A_445 = arith.addf %mul3A_444, %get3A_441 : vector<16xf32>
      %swap3A_446 = arith.constant 0 : i32
      %swap3A_447 = arith.index_cast %swap3A_446 : i32 to index
      %swap3A_448 = arith.index_cast %add3A_416 : i32 to index
      %swap3A_449 = arith.constant 16 : index
      %swap3A_450 = tpu.vector_load %arg8[%swap3A_447, %swap3A_448, %swap3A_449] {strides = array<i32>} : memref<2x200x64xf32, #tpu.memory_space<vmem>>, vector<16xf32>,
      tpu.vector_store %arg8[%swap3A_447, %swap3A_448, %swap3A_449], %add3A_445 {strides = array<i32>} : memref<2x200x64xf32, #tpu.memory_space<vmem>>, vector<16xf32>,
      %get3A_451 = arith.constant 0 : i32
      %get3A_452 = arith.index_cast %get3A_451 : i32 to index
      %get3A_453 = arith.index_cast %add3A_416 : i32 to index
      %get3A_454 = arith.constant 32 : index
      %get3A_455 = tpu.vector_load %arg8[%get3A_452, %get3A_453, %get3A_454] {strides = array<i32>} : memref<2x200x64xf32, #tpu.memory_space<vmem>>, vector<16xf32>,
      %get3A_456 = arith.index_cast %add3A_416 : i32 to index
      %get3A_457 = arith.constant 32 : index
      %get3A_458 = tpu.vector_load %arg7[%get3A_456, %get3A_457] {strides = array<i32>} : memref<200x64xf32, #tpu.memory_space<vmem>>, vector<16xf32>,
      %mul3A_459 = arith.constant 8.000000e+00 : f32
      %mul3A_460 = vector.broadcast %mul3A_459 : f32 to vector<16xf32>
      %mul3A_461 = arith.mulf %get3A_455, %mul3A_460 : vector<16xf32>
      %add3A_462 = arith.addf %mul3A_461, %get3A_458 : vector<16xf32>
      %swap3A_463 = arith.constant 0 : i32
      %swap3A_464 = arith.index_cast %swap3A_463 : i32 to index
      %swap3A_465 = arith.index_cast %add3A_416 : i32 to index
      %swap3A_466 = arith.constant 32 : index
      %swap3A_467 = tpu.vector_load %arg8[%swap3A_464, %swap3A_465, %swap3A_466] {strides = array<i32>} : memref<2x200x64xf32, #tpu.memory_space<vmem>>, vector<16xf32>,
      tpu.vector_store %arg8[%swap3A_464, %swap3A_465, %swap3A_466], %add3A_462 {strides = array<i32>} : memref<2x200x64xf32, #tpu.memory_space<vmem>>, vector<16xf32>,
      %get3A_468 = arith.constant 0 : i32
      %get3A_469 = arith.index_cast %get3A_468 : i32 to index
      %get3A_470 = arith.index_cast %add3A_416 : i32 to index
      %get3A_471 = arith.constant 48 : index
      %get3A_472 = tpu.vector_load %arg8[%get3A_469, %get3A_470, %get3A_471] {strides = array<i32>} : memref<2x200x64xf32, #tpu.memory_space<vmem>>, vector<16xf32>,
      %get3A_473 = arith.index_cast %add3A_416 : i32 to index
      %get3A_474 = arith.constant 48 : index
      %get3A_475 = tpu.vector_load %arg7[%get3A_473, %get3A_474] {strides = array<i32>} : memref<200x64xf32, #tpu.memory_space<vmem>>, vector<16xf32>,
      %mul3A_476 = arith.constant 8.000000e+00 : f32
      %mul3A_477 = vector.broadcast %mul3A_476 : f32 to vector<16xf32>
      %mul3A_478 = arith.mulf %get3A_472, %mul3A_477 : vector<16xf32>
      %add3A_479 = arith.addf %mul3A_478, %get3A_475 : vector<16xf32>
      %swap3A_480 = arith.constant 0 : i32
      %swap3A_481 = arith.index_cast %swap3A_480 : i32 to index
      %swap3A_482 = arith.index_cast %add3A_416 : i32 to index
      %swap3A_483 = arith.constant 48 : index
      %swap3A_484 = tpu.vector_load %arg8[%swap3A_481, %swap3A_482, %swap3A_483] {strides = array<i32>} : memref<2x200x64xf32, #tpu.memory_space<vmem>>, vector<16xf32>,
      tpu.vector_store %arg8[%swap3A_481, %swap3A_482, %swap3A_483], %add3A_479 {strides = array<i32>} : memref<2x200x64xf32, #tpu.memory_space<vmem>>, vector<16xf32>,
      %scan3A_485 = arith.constant 0 : i32
      scf.yield %scan3A_485 : i32
    }
    %scan3A_71 = arith.constant 100 : i32
    %add3A_72 = arith.constant 0 : i32
    %add3A_73 = arith.addi %mul3A_2, %add3A_72 : i32
    %dma_start3A_74 = arith.constant 0 : i32
    %dma_start3A_75 = arith.constant 0 : i32
    %dma_start3A_76 = arith.constant 0 : i32
    %dma_start3A_77 = tpu.memref_slice %arg8[%dma_start3A_74, %dma_start3A_75, %dma_start3A_76] : memref<2x200x64xf32, #tpu.memory_space<vmem>> -> memref<1x200x64xf32, #tpu.memory_space<vmem>>
    %dma_start3A_78 = tpu.memref_squeeze %dma_start3A_77 : memref<1x200x64xf32, #tpu.memory_space<vmem>> -> memref<200x64xf32, #tpu.memory_space<vmem>>
    %dma_start3A_79 = arith.constant 0 : i32
    %dma_start3A_80 = arith.constant 0 : i32
    %dma_start3A_81 = tpu.memref_slice %arg5[%add3A_73, %dma_start3A_79, %dma_start3A_80] : memref<4096x200x128xf32, #tpu.memory_space<hbm>> -> memref<1x200x64xf32, #tpu.memory_space<hbm>>
    %dma_start3A_82 = tpu.memref_squeeze %dma_start3A_81 : memref<1x200x64xf32, #tpu.memory_space<hbm>> -> memref<200x64xf32, #tpu.memory_space<hbm>>
    %dma_start3A_83 = arith.constant 0 : i32
    %dma_start3A_84 = arith.constant 0 : i32
    %dma_start3A_85 = tpu.memref_slice %arg5[%add3A_73, %dma_start3A_83, %dma_start3A_84] : memref<4096x200x128xf32, #tpu.memory_space<hbm>> -> memref<1x200x64xf32, #tpu.memory_space<hbm>>
    %dma_start3A_86 = tpu.memref_squeeze %dma_start3A_85 : memref<1x200x64xf32, #tpu.memory_space<hbm>> -> memref<200x64xf32, #tpu.memory_space<hbm>>
    %dma_start3A_87 = arith.constant 0 : i32
    %dma_start3A_88 = arith.constant 0 : i32
    %dma_start3A_89 = tpu.memref_slice %arg8[%dma_start3A_74, %dma_start3A_87, %dma_start3A_88] : memref<2x200x64xf32, #tpu.memory_space<vmem>> -> memref<1x200x64xf32, #tpu.memory_space<vmem>>
    %dma_start3A_90 = tpu.memref_squeeze %dma_start3A_89 : memref<1x200x64xf32, #tpu.memory_space<vmem>> -> memref<200x64xf32, #tpu.memory_space<vmem>>
    tpu.enqueue_dma source(%dma_start3A_90 : memref<200x64xf32, #tpu.memory_space<vmem>>) target(%dma_start3A_86 : memref<200x64xf32, #tpu.memory_space<hbm>>) target_semaphore(%arg10 : memref<!tpu.dma_semaphore, #tpu.memory_space<semaphore_mem>>)
    %dma_wait3A_91 = arith.constant 1 : i32
    %dma_wait3A_92 = arith.constant 0 : i32
    %dma_wait3A_93 = arith.constant 0 : i32
    %dma_wait3A_94 = tpu.memref_slice %arg8[%dma_wait3A_91, %dma_wait3A_92, %dma_wait3A_93] : memref<2x200x64xf32, #tpu.memory_space<vmem>> -> memref<1x200x64xf32, #tpu.memory_space<vmem>>
    %dma_wait3A_95 = tpu.memref_squeeze %dma_wait3A_94 : memref<1x200x64xf32, #tpu.memory_space<vmem>> -> memref<200x64xf32, #tpu.memory_space<vmem>>
    %dma_wait3A_96 = arith.constant 0 : i32
    %dma_wait3A_97 = arith.constant 0 : i32
    %dma_wait3A_98 = tpu.memref_slice %arg3[%dma_wait3A_96, %dma_wait3A_97] : memref<2000000x64xf32, #tpu.memory_space<hbm>> -> memref<200x64xf32, #tpu.memory_space<hbm>>
    %dma_wait3A_99 = arith.constant 0 : i32
    %dma_wait3A_100 = arith.constant 0 : i32
    %dma_wait3A_101 = tpu.memref_slice %arg8[%dma_wait3A_91, %dma_wait3A_99, %dma_wait3A_100] : memref<2x200x64xf32, #tpu.memory_space<vmem>> -> memref<1x200x64xf32, #tpu.memory_space<vmem>>
    %dma_wait3A_102 = tpu.memref_squeeze %dma_wait3A_101 : memref<1x200x64xf32, #tpu.memory_space<vmem>> -> memref<200x64xf32, #tpu.memory_space<vmem>>
    %dma_wait3A_103 = arith.constant 0 : i32
    %dma_wait3A_104 = arith.constant 0 : i32
    %dma_wait3A_105 = tpu.memref_slice %arg3[%dma_wait3A_103, %dma_wait3A_104] : memref<2000000x64xf32, #tpu.memory_space<hbm>> -> memref<200x64xf32, #tpu.memory_space<hbm>>
    tpu.wait_dma2 semaphore(%arg9 : memref<!tpu.dma_semaphore, #tpu.memory_space<semaphore_mem>>) src(%dma_wait3A_105 : memref<200x64xf32, #tpu.memory_space<hbm>>) dst(%dma_wait3A_102 : memref<200x64xf32, #tpu.memory_space<vmem>>)
    %dma_wait3A_106 = arith.constant 0 : i32
    %dma_wait3A_107 = arith.constant 0 : i32
    %dma_wait3A_108 = arith.constant 0 : i32
    %dma_wait3A_109 = arith.constant 0 : i32
    %dma_wait3A_110 = tpu.memref_slice %arg8[%dma_wait3A_106, %dma_wait3A_108, %dma_wait3A_109] : memref<2x200x64xf32, #tpu.memory_space<vmem>> -> memref<1x200x64xf32, #tpu.memory_space<vmem>>
    %dma_wait3A_111 = tpu.memref_squeeze %dma_wait3A_110 : memref<1x200x64xf32, #tpu.memory_space<vmem>> -> memref<200x64xf32, #tpu.memory_space<vmem>>
    %dma_wait3A_112 = arith.constant 0 : i32
    %dma_wait3A_113 = arith.constant 0 : i32
    %dma_wait3A_114 = tpu.memref_slice %arg5[%dma_wait3A_107, %dma_wait3A_112, %dma_wait3A_113] : memref<4096x200x128xf32, #tpu.memory_space<hbm>> -> memref<1x200x64xf32, #tpu.memory_space<hbm>>
    %dma_wait3A_115 = tpu.memref_squeeze %dma_wait3A_114 : memref<1x200x64xf32, #tpu.memory_space<hbm>> -> memref<200x64xf32, #tpu.memory_space<hbm>>
    %dma_wait3A_116 = arith.constant 0 : i32
    %dma_wait3A_117 = arith.constant 0 : i32
    %dma_wait3A_118 = tpu.memref_slice %arg5[%dma_wait3A_107, %dma_wait3A_116, %dma_wait3A_117] : memref<4096x200x128xf32, #tpu.memory_space<hbm>> -> memref<1x200x64xf32, #tpu.memory_space<hbm>>
    %dma_wait3A_119 = tpu.memref_squeeze %dma_wait3A_118 : memref<1x200x64xf32, #tpu.memory_space<hbm>> -> memref<200x64xf32, #tpu.memory_space<hbm>>
    %dma_wait3A_120 = arith.constant 0 : i32
    %dma_wait3A_121 = arith.constant 0 : i32
    %dma_wait3A_122 = tpu.memref_slice %arg8[%dma_wait3A_106, %dma_wait3A_120, %dma_wait3A_121] : memref<2x200x64xf32, #tpu.memory_space<vmem>> -> memref<1x200x64xf32, #tpu.memory_space<vmem>>
    %dma_wait3A_123 = tpu.memref_squeeze %dma_wait3A_122 : memref<1x200x64xf32, #tpu.memory_space<vmem>> -> memref<200x64xf32, #tpu.memory_space<vmem>>
    tpu.wait_dma2 semaphore(%arg10 : memref<!tpu.dma_semaphore, #tpu.memory_space<semaphore_mem>>) src(%dma_wait3A_123 : memref<200x64xf32, #tpu.memory_space<vmem>>) dst(%dma_wait3A_119 : memref<200x64xf32, #tpu.memory_space<hbm>>)
    %dma_start3A_124 = arith.constant 4 : i32
    %dma_start3A_125 = arith.constant 0 : i32
    %dma_start3A_126 = arith.constant 0 : i32
    %dma_start3A_127 = arith.constant 0 : i32
    %dma_start3A_128 = tpu.memref_slice %arg8[%dma_start3A_125, %dma_start3A_126, %dma_start3A_127] : memref<2x200x64xf32, #tpu.memory_space<vmem>> -> memref<1x100x64xf32, #tpu.memory_space<vmem>>
    %dma_start3A_129 = tpu.memref_squeeze %dma_start3A_128 : memref<1x100x64xf32, #tpu.memory_space<vmem>> -> memref<100x64xf32, #tpu.memory_space<vmem>>
    %dma_start3A_130 = arith.constant 0 : i32
    %dma_start3A_131 = tpu.memref_slice %arg6[%dma_start3A_124, %dma_start3A_130] : memref<256x100xi32, #tpu.memory_space<vmem>> -> memref<1x100xi32, #tpu.memory_space<vmem>>
    %dma_start3A_132 = tpu.memref_squeeze %dma_start3A_131 : memref<1x100xi32, #tpu.memory_space<vmem>> -> memref<100xi32, #tpu.memory_space<vmem>>
    %dma_start3A_133 = arith.constant 0 : i32
    %dma_start3A_134 = arith.constant 0 : i32
    %dma_start3A_135 = tpu.memref_slice %arg3[%dma_start3A_133, %dma_start3A_134] : memref<2000000x64xf32, #tpu.memory_space<hbm>> -> memref<2000000x64xf32, #tpu.memory_space<hbm>>
    tpu.enqueue_indirect_dma source(%dma_start3A_135 : memref<2000000x64xf32, #tpu.memory_space<hbm>>) target(%dma_start3A_129 : memref<100x64xf32, #tpu.memory_space<vmem>>) offsets(%dma_start3A_132 : memref<100xi32, #tpu.memory_space<vmem>>) semaphore(%arg9 : memref<!tpu.dma_semaphore, #tpu.memory_space<semaphore_mem>>)
    %dma_start3A_136 = arith.constant 5 : i32
    %dma_start3A_137 = arith.constant 0 : i32
    %dma_start3A_138 = arith.constant 100 : i32
    %dma_start3A_139 = arith.constant 0 : i32
    %dma_start3A_140 = tpu.memref_slice %arg8[%dma_start3A_137, %dma_start3A_138, %dma_start3A_139] : memref<2x200x64xf32, #tpu.memory_space<vmem>> -> memref<1x100x64xf32, #tpu.memory_space<vmem>>
    %dma_start3A_141 = tpu.memref_squeeze %dma_start3A_140 : memref<1x100x64xf32, #tpu.memory_space<vmem>> -> memref<100x64xf32, #tpu.memory_space<vmem>>
    %dma_start3A_142 = arith.constant 0 : i32
    %dma_start3A_143 = tpu.memref_slice %arg6[%dma_start3A_136, %dma_start3A_142] : memref<256x100xi32, #tpu.memory_space<vmem>> -> memref<1x100xi32, #tpu.memory_space<vmem>>
    %dma_start3A_144 = tpu.memref_squeeze %dma_start3A_143 : memref<1x100xi32, #tpu.memory_space<vmem>> -> memref<100xi32, #tpu.memory_space<vmem>>
    %dma_start3A_145 = arith.constant 0 : i32
    %dma_start3A_146 = arith.constant 0 : i32
    %dma_start3A_147 = tpu.memref_slice %arg3[%dma_start3A_145, %dma_start3A_146] : memref<2000000x64xf32, #tpu.memory_space<hbm>> -> memref<2000000x64xf32, #tpu.memory_space<hbm>>
    tpu.enqueue_indirect_dma source(%dma_start3A_147 : memref<2000000x64xf32, #tpu.memory_space<hbm>>) target(%dma_start3A_141 : memref<100x64xf32, #tpu.memory_space<vmem>>) offsets(%dma_start3A_144 : memref<100xi32, #tpu.memory_space<vmem>>) semaphore(%arg9 : memref<!tpu.dma_semaphore, #tpu.memory_space<semaphore_mem>>)
    %scan3A_148 = arith.constant 0 : i32
    %scan3A_149 = arith.constant 0 : i32
    %scan3A_150 = arith.constant 100 : i32
    %scan3A_151 = arith.addi %scan3A_149, %scan3A_150 : i32
    %scan3A_152 = arith.constant 1 : i32
    %scan3A_153 = scf.for %scan3A_341 = %scan3A_149 to %scan3A_151 step %scan3A_152 iter_args(%scan3A_342 = %scan3A_148) -> (i32)  : i32 {
      %mul3A_343 = arith.constant 2 : i32
      %mul3A_344 = arith.muli %scan3A_341, %mul3A_343 : i32
      %add3A_345 = arith.constant 0 : i32
      %add3A_346 = arith.addi %mul3A_344, %add3A_345 : i32
      %get3A = arith.constant 1 : i32
      %get3A_347 = arith.index_cast %get3A : i32 to index
      %get3A_348 = arith.index_cast %add3A_346 : i32 to index
      %get3A_349 = arith.constant 0 : index
      %get3A_350 = tpu.vector_load %arg8[%get3A_347, %get3A_348, %get3A_349] {strides = array<i32>} : memref<2x200x64xf32, #tpu.memory_space<vmem>>, vector<16xf32>,
      %get3A_351 = arith.index_cast %add3A_346 : i32 to index
      %get3A_352 = arith.constant 0 : index
      %get3A_353 = tpu.vector_load %arg7[%get3A_351, %get3A_352] {strides = array<i32>} : memref<200x64xf32, #tpu.memory_space<vmem>>, vector<16xf32>,
      %mul3A_354 = arith.constant 8.000000e+00 : f32
      %mul3A_355 = vector.broadcast %mul3A_354 : f32 to vector<16xf32>
      %mul3A_356 = arith.mulf %get3A_350, %mul3A_355 : vector<16xf32>
      %add3A_357 = arith.addf %mul3A_356, %get3A_353 : vector<16xf32>
      %swap3A = arith.constant 1 : i32
      %swap3A_358 = arith.index_cast %swap3A : i32 to index
      %swap3A_359 = arith.index_cast %add3A_346 : i32 to index
      %swap3A_360 = arith.constant 0 : index
      %swap3A_361 = tpu.vector_load %arg8[%swap3A_358, %swap3A_359, %swap3A_360] {strides = array<i32>} : memref<2x200x64xf32, #tpu.memory_space<vmem>>, vector<16xf32>,
      tpu.vector_store %arg8[%swap3A_358, %swap3A_359, %swap3A_360], %add3A_357 {strides = array<i32>} : memref<2x200x64xf32, #tpu.memory_space<vmem>>, vector<16xf32>,
      %get3A_362 = arith.constant 1 : i32
      %get3A_363 = arith.index_cast %get3A_362 : i32 to index
      %get3A_364 = arith.index_cast %add3A_346 : i32 to index
      %get3A_365 = arith.constant 16 : index
      %get3A_366 = tpu.vector_load %arg8[%get3A_363, %get3A_364, %get3A_365] {strides = array<i32>} : memref<2x200x64xf32, #tpu.memory_space<vmem>>, vector<16xf32>,
      %get3A_367 = arith.index_cast %add3A_346 : i32 to index
      %get3A_368 = arith.constant 16 : index
      %get3A_369 = tpu.vector_load %arg7[%get3A_367, %get3A_368] {strides = array<i32>} : memref<200x64xf32, #tpu.memory_space<vmem>>, vector<16xf32>,
      %mul3A_370 = arith.constant 8.000000e+00 : f32
      %mul3A_371 = vector.broadcast %mul3A_370 : f32 to vector<16xf32>
      %mul3A_372 = arith.mulf %get3A_366, %mul3A_371 : vector<16xf32>
      %add3A_373 = arith.addf %mul3A_372, %get3A_369 : vector<16xf32>
      %swap3A_374 = arith.constant 1 : i32
      %swap3A_375 = arith.index_cast %swap3A_374 : i32 to index
      %swap3A_376 = arith.index_cast %add3A_346 : i32 to index
      %swap3A_377 = arith.constant 16 : index
      %swap3A_378 = tpu.vector_load %arg8[%swap3A_375, %swap3A_376, %swap3A_377] {strides = array<i32>} : memref<2x200x64xf32, #tpu.memory_space<vmem>>, vector<16xf32>,
      tpu.vector_store %arg8[%swap3A_375, %swap3A_376, %swap3A_377], %add3A_373 {strides = array<i32>} : memref<2x200x64xf32, #tpu.memory_space<vmem>>, vector<16xf32>,
      %get3A_379 = arith.constant 1 : i32
      %get3A_380 = arith.index_cast %get3A_379 : i32 to index
      %get3A_381 = arith.index_cast %add3A_346 : i32 to index
      %get3A_382 = arith.constant 32 : index
      %get3A_383 = tpu.vector_load %arg8[%get3A_380, %get3A_381, %get3A_382] {strides = array<i32>} : memref<2x200x64xf32, #tpu.memory_space<vmem>>, vector<16xf32>,
      %get3A_384 = arith.index_cast %add3A_346 : i32 to index
      %get3A_385 = arith.constant 32 : index
      %get3A_386 = tpu.vector_load %arg7[%get3A_384, %get3A_385] {strides = array<i32>} : memref<200x64xf32, #tpu.memory_space<vmem>>, vector<16xf32>,
      %mul3A_387 = arith.constant 8.000000e+00 : f32
      %mul3A_388 = vector.broadcast %mul3A_387 : f32 to vector<16xf32>
      %mul3A_389 = arith.mulf %get3A_383, %mul3A_388 : vector<16xf32>
      %add3A_390 = arith.addf %mul3A_389, %get3A_386 : vector<16xf32>
      %swap3A_391 = arith.constant 1 : i32
      %swap3A_392 = arith.index_cast %swap3A_391 : i32 to index
      %swap3A_393 = arith.index_cast %add3A_346 : i32 to index
      %swap3A_394 = arith.constant 32 : index
      %swap3A_395 = tpu.vector_load %arg8[%swap3A_392, %swap3A_393, %swap3A_394] {strides = array<i32>} : memref<2x200x64xf32, #tpu.memory_space<vmem>>, vector<16xf32>,
      tpu.vector_store %arg8[%swap3A_392, %swap3A_393, %swap3A_394], %add3A_390 {strides = array<i32>} : memref<2x200x64xf32, #tpu.memory_space<vmem>>, vector<16xf32>,
      %get3A_396 = arith.constant 1 : i32
      %get3A_397 = arith.index_cast %get3A_396 : i32 to index
      %get3A_398 = arith.index_cast %add3A_346 : i32 to index
      %get3A_399 = arith.constant 48 : index
      %get3A_400 = tpu.vector_load %arg8[%get3A_397, %get3A_398, %get3A_399] {strides = array<i32>} : memref<2x200x64xf32, #tpu.memory_space<vmem>>, vector<16xf32>,
      %get3A_401 = arith.index_cast %add3A_346 : i32 to index
      %get3A_402 = arith.constant 48 : index
      %get3A_403 = tpu.vector_load %arg7[%get3A_401, %get3A_402] {strides = array<i32>} : memref<200x64xf32, #tpu.memory_space<vmem>>, vector<16xf32>,
      %mul3A_404 = arith.constant 8.000000e+00 : f32
      %mul3A_405 = vector.broadcast %mul3A_404 : f32 to vector<16xf32>
      %mul3A_406 = arith.mulf %get3A_400, %mul3A_405 : vector<16xf32>
      %add3A_407 = arith.addf %mul3A_406, %get3A_403 : vector<16xf32>
      %swap3A_408 = arith.constant 1 : i32
      %swap3A_409 = arith.index_cast %swap3A_408 : i32 to index
      %swap3A_410 = arith.index_cast %add3A_346 : i32 to index
      %swap3A_411 = arith.constant 48 : index
      %swap3A_412 = tpu.vector_load %arg8[%swap3A_409, %swap3A_410, %swap3A_411] {strides = array<i32>} : memref<2x200x64xf32, #tpu.memory_space<vmem>>, vector<16xf32>,
      tpu.vector_store %arg8[%swap3A_409, %swap3A_410, %swap3A_411], %add3A_407 {strides = array<i32>} : memref<2x200x64xf32, #tpu.memory_space<vmem>>, vector<16xf32>,
      %mul3A_413 = arith.constant 2 : i32
      %mul3A_414 = arith.muli %scan3A_341, %mul3A_413 : i32
      %add3A_415 = arith.constant 1 : i32
      %add3A_416 = arith.addi %mul3A_414, %add3A_415 : i32
      %get3A_417 = arith.constant 1 : i32
      %get3A_418 = arith.index_cast %get3A_417 : i32 to index
      %get3A_419 = arith.index_cast %add3A_416 : i32 to index
      %get3A_420 = arith.constant 0 : index
      %get3A_421 = tpu.vector_load %arg8[%get3A_418, %get3A_419, %get3A_420] {strides = array<i32>} : memref<2x200x64xf32, #tpu.memory_space<vmem>>, vector<16xf32>,
      %get3A_422 = arith.index_cast %add3A_416 : i32 to index
      %get3A_423 = arith.constant 0 : index
      %get3A_424 = tpu.vector_load %arg7[%get3A_422, %get3A_423] {strides = array<i32>} : memref<200x64xf32, #tpu.memory_space<vmem>>, vector<16xf32>,
      %mul3A_425 = arith.constant 8.000000e+00 : f32
      %mul3A_426 = vector.broadcast %mul3A_425 : f32 to vector<16xf32>
      %mul3A_427 = arith.mulf %get3A_421, %mul3A_426 : vector<16xf32>
      %add3A_428 = arith.addf %mul3A_427, %get3A_424 : vector<16xf32>
      %swap3A_429 = arith.constant 1 : i32
      %swap3A_430 = arith.index_cast %swap3A_429 : i32 to index
      %swap3A_431 = arith.index_cast %add3A_416 : i32 to index
      %swap3A_432 = arith.constant 0 : index
      %swap3A_433 = tpu.vector_load %arg8[%swap3A_430, %swap3A_431, %swap3A_432] {strides = array<i32>} : memref<2x200x64xf32, #tpu.memory_space<vmem>>, vector<16xf32>,
      tpu.vector_store %arg8[%swap3A_430, %swap3A_431, %swap3A_432], %add3A_428 {strides = array<i32>} : memref<2x200x64xf32, #tpu.memory_space<vmem>>, vector<16xf32>,
      %get3A_434 = arith.constant 1 : i32
      %get3A_435 = arith.index_cast %get3A_434 : i32 to index
      %get3A_436 = arith.index_cast %add3A_416 : i32 to index
      %get3A_437 = arith.constant 16 : index
      %get3A_438 = tpu.vector_load %arg8[%get3A_435, %get3A_436, %get3A_437] {strides = array<i32>} : memref<2x200x64xf32, #tpu.memory_space<vmem>>, vector<16xf32>,
      %get3A_439 = arith.index_cast %add3A_416 : i32 to index
      %get3A_440 = arith.constant 16 : index
      %get3A_441 = tpu.vector_load %arg7[%get3A_439, %get3A_440] {strides = array<i32>} : memref<200x64xf32, #tpu.memory_space<vmem>>, vector<16xf32>,
      %mul3A_442 = arith.constant 8.000000e+00 : f32
      %mul3A_443 = vector.broadcast %mul3A_442 : f32 to vector<16xf32>
      %mul3A_444 = arith.mulf %get3A_438, %mul3A_443 : vector<16xf32>
      %add3A_445 = arith.addf %mul3A_444, %get3A_441 : vector<16xf32>
      %swap3A_446 = arith.constant 1 : i32
      %swap3A_447 = arith.index_cast %swap3A_446 : i32 to index
      %swap3A_448 = arith.index_cast %add3A_416 : i32 to index
      %swap3A_449 = arith.constant 16 : index
      %swap3A_450 = tpu.vector_load %arg8[%swap3A_447, %swap3A_448, %swap3A_449] {strides = array<i32>} : memref<2x200x64xf32, #tpu.memory_space<vmem>>, vector<16xf32>,
      tpu.vector_store %arg8[%swap3A_447, %swap3A_448, %swap3A_449], %add3A_445 {strides = array<i32>} : memref<2x200x64xf32, #tpu.memory_space<vmem>>, vector<16xf32>,
      %get3A_451 = arith.constant 1 : i32
      %get3A_452 = arith.index_cast %get3A_451 : i32 to index
      %get3A_453 = arith.index_cast %add3A_416 : i32 to index
      %get3A_454 = arith.constant 32 : index
      %get3A_455 = tpu.vector_load %arg8[%get3A_452, %get3A_453, %get3A_454] {strides = array<i32>} : memref<2x200x64xf32, #tpu.memory_space<vmem>>, vector<16xf32>,
      %get3A_456 = arith.index_cast %add3A_416 : i32 to index
      %get3A_457 = arith.constant 32 : index
      %get3A_458 = tpu.vector_load %arg7[%get3A_456, %get3A_457] {strides = array<i32>} : memref<200x64xf32, #tpu.memory_space<vmem>>, vector<16xf32>,
      %mul3A_459 = arith.constant 8.000000e+00 : f32
      %mul3A_460 = vector.broadcast %mul3A_459 : f32 to vector<16xf32>
      %mul3A_461 = arith.mulf %get3A_455, %mul3A_460 : vector<16xf32>
      %add3A_462 = arith.addf %mul3A_461, %get3A_458 : vector<16xf32>
      %swap3A_463 = arith.constant 1 : i32
      %swap3A_464 = arith.index_cast %swap3A_463 : i32 to index
      %swap3A_465 = arith.index_cast %add3A_416 : i32 to index
      %swap3A_466 = arith.constant 32 : index
      %swap3A_467 = tpu.vector_load %arg8[%swap3A_464, %swap3A_465, %swap3A_466] {strides = array<i32>} : memref<2x200x64xf32, #tpu.memory_space<vmem>>, vector<16xf32>,
      tpu.vector_store %arg8[%swap3A_464, %swap3A_465, %swap3A_466], %add3A_462 {strides = array<i32>} : memref<2x200x64xf32, #tpu.memory_space<vmem>>, vector<16xf32>,
      %get3A_468 = arith.constant 1 : i32
      %get3A_469 = arith.index_cast %get3A_468 : i32 to index
      %get3A_470 = arith.index_cast %add3A_416 : i32 to index
      %get3A_471 = arith.constant 48 : index
      %get3A_472 = tpu.vector_load %arg8[%get3A_469, %get3A_470, %get3A_471] {strides = array<i32>} : memref<2x200x64xf32, #tpu.memory_space<vmem>>, vector<16xf32>,
      %get3A_473 = arith.index_cast %add3A_416 : i32 to index
      %get3A_474 = arith.constant 48 : index
      %get3A_475 = tpu.vector_load %arg7[%get3A_473, %get3A_474] {strides = array<i32>} : memref<200x64xf32, #tpu.memory_space<vmem>>, vector<16xf32>,
      %mul3A_476 = arith.constant 8.000000e+00 : f32
      %mul3A_477 = vector.broadcast %mul3A_476 : f32 to vector<16xf32>
      %mul3A_478 = arith.mulf %get3A_472, %mul3A_477 : vector<16xf32>
      %add3A_479 = arith.addf %mul3A_478, %get3A_475 : vector<16xf32>
      %swap3A_480 = arith.constant 1 : i32
      %swap3A_481 = arith.index_cast %swap3A_480 : i32 to index
      %swap3A_482 = arith.index_cast %add3A_416 : i32 to index
      %swap3A_483 = arith.constant 48 : index
      %swap3A_484 = tpu.vector_load %arg8[%swap3A_481, %swap3A_482, %swap3A_483] {strides = array<i32>} : memref<2x200x64xf32, #tpu.memory_space<vmem>>, vector<16xf32>,
      tpu.vector_store %arg8[%swap3A_481, %swap3A_482, %swap3A_483], %add3A_479 {strides = array<i32>} : memref<2x200x64xf32, #tpu.memory_space<vmem>>, vector<16xf32>,
      %scan3A_485 = arith.constant 0 : i32
      scf.yield %scan3A_485 : i32
    }
    %scan3A_154 = arith.constant 100 : i32
    %add3A_155 = arith.constant 1 : i32
    %add3A_156 = arith.addi %mul3A_2, %add3A_155 : i32
    %dma_start3A_157 = arith.constant 1 : i32
    %dma_start3A_158 = arith.constant 0 : i32
    %dma_start3A_159 = arith.constant 0 : i32
    %dma_start3A_160 = tpu.memref_slice %arg8[%dma_start3A_157, %dma_start3A_158, %dma_start3A_159] : memref<2x200x64xf32, #tpu.memory_space<vmem>> -> memref<1x200x64xf32, #tpu.memory_space<vmem>>
    %dma_start3A_161 = tpu.memref_squeeze %dma_start3A_160 : memref<1x200x64xf32, #tpu.memory_space<vmem>> -> memref<200x64xf32, #tpu.memory_space<vmem>>
    %dma_start3A_162 = arith.constant 0 : i32
    %dma_start3A_163 = arith.constant 0 : i32
    %dma_start3A_164 = tpu.memref_slice %arg5[%add3A_156, %dma_start3A_162, %dma_start3A_163] : memref<4096x200x128xf32, #tpu.memory_space<hbm>> -> memref<1x200x64xf32, #tpu.memory_space<hbm>>
    %dma_start3A_165 = tpu.memref_squeeze %dma_start3A_164 : memref<1x200x64xf32, #tpu.memory_space<hbm>> -> memref<200x64xf32, #tpu.memory_space<hbm>>
    %dma_start3A_166 = arith.constant 0 : i32
    %dma_start3A_167 = arith.constant 0 : i32
    %dma_start3A_168 = tpu.memref_slice %arg5[%add3A_156, %dma_start3A_166, %dma_start3A_167] : memref<4096x200x128xf32, #tpu.memory_space<hbm>> -> memref<1x200x64xf32, #tpu.memory_space<hbm>>
    %dma_start3A_169 = tpu.memref_squeeze %dma_start3A_168 : memref<1x200x64xf32, #tpu.memory_space<hbm>> -> memref<200x64xf32, #tpu.memory_space<hbm>>
    %dma_start3A_170 = arith.constant 0 : i32
    %dma_start3A_171 = arith.constant 0 : i32
    %dma_start3A_172 = tpu.memref_slice %arg8[%dma_start3A_157, %dma_start3A_170, %dma_start3A_171] : memref<2x200x64xf32, #tpu.memory_space<vmem>> -> memref<1x200x64xf32, #tpu.memory_space<vmem>>
    %dma_start3A_173 = tpu.memref_squeeze %dma_start3A_172 : memref<1x200x64xf32, #tpu.memory_space<vmem>> -> memref<200x64xf32, #tpu.memory_space<vmem>>
    tpu.enqueue_dma source(%dma_start3A_173 : memref<200x64xf32, #tpu.memory_space<vmem>>) target(%dma_start3A_169 : memref<200x64xf32, #tpu.memory_space<hbm>>) target_semaphore(%arg10 : memref<!tpu.dma_semaphore, #tpu.memory_space<semaphore_mem>>)
    %scan3A_174 = arith.constant 0 : i32
    %scan3A_175 = arith.constant 1 : i32
    %scan3A_176 = arith.constant 62 : i32
    %scan3A_177 = arith.addi %scan3A_175, %scan3A_176 : i32
    %scan3A_178 = arith.constant 1 : i32
    %scan3A_179 = scf.for %scan3A_341 = %scan3A_175 to %scan3A_177 step %scan3A_178 iter_args(%scan3A_342 = %scan3A_174) -> (i32)  : i32 {
      %mul3A_343 = arith.constant 2 : i32
      %mul3A_344 = arith.muli %scan3A_341, %mul3A_343 : i32
      %add3A_345 = arith.constant 0 : i32
      %add3A_346 = arith.addi %mul3A_344, %add3A_345 : i32
      %dma_wait3A_347 = arith.constant 0 : i32
      %dma_wait3A_348 = arith.constant 0 : i32
      %dma_wait3A_349 = arith.constant 0 : i32
      %dma_wait3A_350 = tpu.memref_slice %arg8[%dma_wait3A_347, %dma_wait3A_348, %dma_wait3A_349] : memref<2x200x64xf32, #tpu.memory_space<vmem>> -> memref<1x200x64xf32, #tpu.memory_space<vmem>>
      %dma_wait3A_351 = tpu.memref_squeeze %dma_wait3A_350 : memref<1x200x64xf32, #tpu.memory_space<vmem>> -> memref<200x64xf32, #tpu.memory_space<vmem>>
      %dma_wait3A_352 = arith.constant 0 : i32
      %dma_wait3A_353 = arith.constant 0 : i32
      %dma_wait3A_354 = tpu.memref_slice %arg3[%dma_wait3A_352, %dma_wait3A_353] : memref<2000000x64xf32, #tpu.memory_space<hbm>> -> memref<200x64xf32, #tpu.memory_space<hbm>>
      %dma_wait3A_355 = arith.constant 0 : i32
      %dma_wait3A_356 = arith.constant 0 : i32
      %dma_wait3A_357 = tpu.memref_slice %arg8[%dma_wait3A_347, %dma_wait3A_355, %dma_wait3A_356] : memref<2x200x64xf32, #tpu.memory_space<vmem>> -> memref<1x200x64xf32, #tpu.memory_space<vmem>>
      %dma_wait3A_358 = tpu.memref_squeeze %dma_wait3A_357 : memref<1x200x64xf32, #tpu.memory_space<vmem>> -> memref<200x64xf32, #tpu.memory_space<vmem>>
      %dma_wait3A_359 = arith.constant 0 : i32
      %dma_wait3A_360 = arith.constant 0 : i32
      %dma_wait3A_361 = tpu.memref_slice %arg3[%dma_wait3A_359, %dma_wait3A_360] : memref<2000000x64xf32, #tpu.memory_space<hbm>> -> memref<200x64xf32, #tpu.memory_space<hbm>>
      tpu.wait_dma2 semaphore(%arg9 : memref<!tpu.dma_semaphore, #tpu.memory_space<semaphore_mem>>) src(%dma_wait3A_361 : memref<200x64xf32, #tpu.memory_space<hbm>>) dst(%dma_wait3A_358 : memref<200x64xf32, #tpu.memory_space<vmem>>)
      %dma_wait3A_362 = arith.constant 1 : i32
      %dma_wait3A_363 = arith.constant 0 : i32
      %dma_wait3A_364 = arith.constant 0 : i32
      %dma_wait3A_365 = arith.constant 0 : i32
      %dma_wait3A_366 = tpu.memref_slice %arg8[%dma_wait3A_362, %dma_wait3A_364, %dma_wait3A_365] : memref<2x200x64xf32, #tpu.memory_space<vmem>> -> memref<1x200x64xf32, #tpu.memory_space<vmem>>
      %dma_wait3A_367 = tpu.memref_squeeze %dma_wait3A_366 : memref<1x200x64xf32, #tpu.memory_space<vmem>> -> memref<200x64xf32, #tpu.memory_space<vmem>>
      %dma_wait3A_368 = arith.constant 0 : i32
      %dma_wait3A_369 = arith.constant 0 : i32
      %dma_wait3A_370 = tpu.memref_slice %arg5[%dma_wait3A_363, %dma_wait3A_368, %dma_wait3A_369] : memref<4096x200x128xf32, #tpu.memory_space<hbm>> -> memref<1x200x64xf32, #tpu.memory_space<hbm>>
      %dma_wait3A_371 = tpu.memref_squeeze %dma_wait3A_370 : memref<1x200x64xf32, #tpu.memory_space<hbm>> -> memref<200x64xf32, #tpu.memory_space<hbm>>
      %dma_wait3A_372 = arith.constant 0 : i32
      %dma_wait3A_373 = arith.constant 0 : i32
      %dma_wait3A_374 = tpu.memref_slice %arg5[%dma_wait3A_363, %dma_wait3A_372, %dma_wait3A_373] : memref<4096x200x128xf32, #tpu.memory_space<hbm>> -> memref<1x200x64xf32, #tpu.memory_space<hbm>>
      %dma_wait3A_375 = tpu.memref_squeeze %dma_wait3A_374 : memref<1x200x64xf32, #tpu.memory_space<hbm>> -> memref<200x64xf32, #tpu.memory_space<hbm>>
      %dma_wait3A_376 = arith.constant 0 : i32
      %dma_wait3A_377 = arith.constant 0 : i32
      %dma_wait3A_378 = tpu.memref_slice %arg8[%dma_wait3A_362, %dma_wait3A_376, %dma_wait3A_377] : memref<2x200x64xf32, #tpu.memory_space<vmem>> -> memref<1x200x64xf32, #tpu.memory_space<vmem>>
      %dma_wait3A_379 = tpu.memref_squeeze %dma_wait3A_378 : memref<1x200x64xf32, #tpu.memory_space<vmem>> -> memref<200x64xf32, #tpu.memory_space<vmem>>
      tpu.wait_dma2 semaphore(%arg10 : memref<!tpu.dma_semaphore, #tpu.memory_space<semaphore_mem>>) src(%dma_wait3A_379 : memref<200x64xf32, #tpu.memory_space<vmem>>) dst(%dma_wait3A_375 : memref<200x64xf32, #tpu.memory_space<hbm>>)
      %add3A_380 = arith.constant 1 : i32
      %add3A_381 = arith.addi %add3A_346, %add3A_380 : i32
      %mul3A_382 = arith.constant 2 : i32
      %mul3A_383 = arith.muli %mul3A_382, %add3A_381 : i32
      %dma_start3A_384 = arith.constant 1 : i32
      %dma_start3A_385 = arith.constant 0 : i32
      %dma_start3A_386 = arith.constant 0 : i32
      %dma_start3A_387 = tpu.memref_slice %arg8[%dma_start3A_384, %dma_start3A_385, %dma_start3A_386] : memref<2x200x64xf32, #tpu.memory_space<vmem>> -> memref<1x100x64xf32, #tpu.memory_space<vmem>>
      %dma_start3A_388 = tpu.memref_squeeze %dma_start3A_387 : memref<1x100x64xf32, #tpu.memory_space<vmem>> -> memref<100x64xf32, #tpu.memory_space<vmem>>
      %dma_start3A_389 = arith.constant 0 : i32
      %dma_start3A_390 = tpu.memref_slice %arg6[%mul3A_383, %dma_start3A_389] : memref<256x100xi32, #tpu.memory_space<vmem>> -> memref<1x100xi32, #tpu.memory_space<vmem>>
      %dma_start3A_391 = tpu.memref_squeeze %dma_start3A_390 : memref<1x100xi32, #tpu.memory_space<vmem>> -> memref<100xi32, #tpu.memory_space<vmem>>
      %dma_start3A_392 = arith.constant 0 : i32
      %dma_start3A_393 = arith.constant 0 : i32
      %dma_start3A_394 = tpu.memref_slice %arg3[%dma_start3A_392, %dma_start3A_393] : memref<2000000x64xf32, #tpu.memory_space<hbm>> -> memref<2000000x64xf32, #tpu.memory_space<hbm>>
      tpu.enqueue_indirect_dma source(%dma_start3A_394 : memref<2000000x64xf32, #tpu.memory_space<hbm>>) target(%dma_start3A_388 : memref<100x64xf32, #tpu.memory_space<vmem>>) offsets(%dma_start3A_391 : memref<100xi32, #tpu.memory_space<vmem>>) semaphore(%arg9 : memref<!tpu.dma_semaphore, #tpu.memory_space<semaphore_mem>>)
      %mul3A_395 = arith.constant 2 : i32
      %mul3A_396 = arith.muli %mul3A_395, %add3A_381 : i32
      %add3A_397 = arith.constant 1 : i32
      %add3A_398 = arith.addi %mul3A_396, %add3A_397 : i32
      %dma_start3A_399 = arith.constant 1 : i32
      %dma_start3A_400 = arith.constant 100 : i32
      %dma_start3A_401 = arith.constant 0 : i32
      %dma_start3A_402 = tpu.memref_slice %arg8[%dma_start3A_399, %dma_start3A_400, %dma_start3A_401] : memref<2x200x64xf32, #tpu.memory_space<vmem>> -> memref<1x100x64xf32, #tpu.memory_space<vmem>>
      %dma_start3A_403 = tpu.memref_squeeze %dma_start3A_402 : memref<1x100x64xf32, #tpu.memory_space<vmem>> -> memref<100x64xf32, #tpu.memory_space<vmem>>
      %dma_start3A_404 = arith.constant 0 : i32
      %dma_start3A_405 = tpu.memref_slice %arg6[%add3A_398, %dma_start3A_404] : memref<256x100xi32, #tpu.memory_space<vmem>> -> memref<1x100xi32, #tpu.memory_space<vmem>>
      %dma_start3A_406 = tpu.memref_squeeze %dma_start3A_405 : memref<1x100xi32, #tpu.memory_space<vmem>> -> memref<100xi32, #tpu.memory_space<vmem>>
      %dma_start3A_407 = arith.constant 0 : i32
      %dma_start3A_408 = arith.constant 0 : i32
      %dma_start3A_409 = tpu.memref_slice %arg3[%dma_start3A_407, %dma_start3A_408] : memref<2000000x64xf32, #tpu.memory_space<hbm>> -> memref<2000000x64xf32, #tpu.memory_space<hbm>>
      tpu.enqueue_indirect_dma source(%dma_start3A_409 : memref<2000000x64xf32, #tpu.memory_space<hbm>>) target(%dma_start3A_403 : memref<100x64xf32, #tpu.memory_space<vmem>>) offsets(%dma_start3A_406 : memref<100xi32, #tpu.memory_space<vmem>>) semaphore(%arg9 : memref<!tpu.dma_semaphore, #tpu.memory_space<semaphore_mem>>)
      %scan3A_410 = arith.constant 0 : i32
      %scan3A_411 = arith.constant 0 : i32
      %scan3A_412 = arith.constant 100 : i32
      %scan3A_413 = arith.addi %scan3A_411, %scan3A_412 : i32
      %scan3A_414 = arith.constant 1 : i32
      %scan3A_415 = scf.for %scan3A_528 = %scan3A_411 to %scan3A_413 step %scan3A_414 iter_args(%scan3A_529 = %scan3A_410) -> (i32)  : i32 {
        %mul3A_530 = arith.constant 2 : i32
        %mul3A_531 = arith.muli %scan3A_528, %mul3A_530 : i32
        %add3A_532 = arith.constant 0 : i32
        %add3A_533 = arith.addi %mul3A_531, %add3A_532 : i32
        %get3A = arith.constant 0 : i32
        %get3A_534 = arith.index_cast %get3A : i32 to index
        %get3A_535 = arith.index_cast %add3A_533 : i32 to index
        %get3A_536 = arith.constant 0 : index
        %get3A_537 = tpu.vector_load %arg8[%get3A_534, %get3A_535, %get3A_536] {strides = array<i32>} : memref<2x200x64xf32, #tpu.memory_space<vmem>>, vector<16xf32>,
        %get3A_538 = arith.index_cast %add3A_533 : i32 to index
        %get3A_539 = arith.constant 0 : index
        %get3A_540 = tpu.vector_load %arg7[%get3A_538, %get3A_539] {strides = array<i32>} : memref<200x64xf32, #tpu.memory_space<vmem>>, vector<16xf32>,
        %mul3A_541 = arith.constant 8.000000e+00 : f32
        %mul3A_542 = vector.broadcast %mul3A_541 : f32 to vector<16xf32>
        %mul3A_543 = arith.mulf %get3A_537, %mul3A_542 : vector<16xf32>
        %add3A_544 = arith.addf %mul3A_543, %get3A_540 : vector<16xf32>
        %swap3A = arith.constant 0 : i32
        %swap3A_545 = arith.index_cast %swap3A : i32 to index
        %swap3A_546 = arith.index_cast %add3A_533 : i32 to index
        %swap3A_547 = arith.constant 0 : index
        %swap3A_548 = tpu.vector_load %arg8[%swap3A_545, %swap3A_546, %swap3A_547] {strides = array<i32>} : memref<2x200x64xf32, #tpu.memory_space<vmem>>, vector<16xf32>,
        tpu.vector_store %arg8[%swap3A_545, %swap3A_546, %swap3A_547], %add3A_544 {strides = array<i32>} : memref<2x200x64xf32, #tpu.memory_space<vmem>>, vector<16xf32>,
        %get3A_549 = arith.constant 0 : i32
        %get3A_550 = arith.index_cast %get3A_549 : i32 to index
        %get3A_551 = arith.index_cast %add3A_533 : i32 to index
        %get3A_552 = arith.constant 16 : index
        %get3A_553 = tpu.vector_load %arg8[%get3A_550, %get3A_551, %get3A_552] {strides = array<i32>} : memref<2x200x64xf32, #tpu.memory_space<vmem>>, vector<16xf32>,
        %get3A_554 = arith.index_cast %add3A_533 : i32 to index
        %get3A_555 = arith.constant 16 : index
        %get3A_556 = tpu.vector_load %arg7[%get3A_554, %get3A_555] {strides = array<i32>} : memref<200x64xf32, #tpu.memory_space<vmem>>, vector<16xf32>,
        %mul3A_557 = arith.constant 8.000000e+00 : f32
        %mul3A_558 = vector.broadcast %mul3A_557 : f32 to vector<16xf32>
        %mul3A_559 = arith.mulf %get3A_553, %mul3A_558 : vector<16xf32>
        %add3A_560 = arith.addf %mul3A_559, %get3A_556 : vector<16xf32>
        %swap3A_561 = arith.constant 0 : i32
        %swap3A_562 = arith.index_cast %swap3A_561 : i32 to index
        %swap3A_563 = arith.index_cast %add3A_533 : i32 to index
        %swap3A_564 = arith.constant 16 : index
        %swap3A_565 = tpu.vector_load %arg8[%swap3A_562, %swap3A_563, %swap3A_564] {strides = array<i32>} : memref<2x200x64xf32, #tpu.memory_space<vmem>>, vector<16xf32>,
        tpu.vector_store %arg8[%swap3A_562, %swap3A_563, %swap3A_564], %add3A_560 {strides = array<i32>} : memref<2x200x64xf32, #tpu.memory_space<vmem>>, vector<16xf32>,
        %get3A_566 = arith.constant 0 : i32
        %get3A_567 = arith.index_cast %get3A_566 : i32 to index
        %get3A_568 = arith.index_cast %add3A_533 : i32 to index
        %get3A_569 = arith.constant 32 : index
        %get3A_570 = tpu.vector_load %arg8[%get3A_567, %get3A_568, %get3A_569] {strides = array<i32>} : memref<2x200x64xf32, #tpu.memory_space<vmem>>, vector<16xf32>,
        %get3A_571 = arith.index_cast %add3A_533 : i32 to index
        %get3A_572 = arith.constant 32 : index
        %get3A_573 = tpu.vector_load %arg7[%get3A_571, %get3A_572] {strides = array<i32>} : memref<200x64xf32, #tpu.memory_space<vmem>>, vector<16xf32>,
        %mul3A_574 = arith.constant 8.000000e+00 : f32
        %mul3A_575 = vector.broadcast %mul3A_574 : f32 to vector<16xf32>
        %mul3A_576 = arith.mulf %get3A_570, %mul3A_575 : vector<16xf32>
        %add3A_577 = arith.addf %mul3A_576, %get3A_573 : vector<16xf32>
        %swap3A_578 = arith.constant 0 : i32
        %swap3A_579 = arith.index_cast %swap3A_578 : i32 to index
        %swap3A_580 = arith.index_cast %add3A_533 : i32 to index
        %swap3A_581 = arith.constant 32 : index
        %swap3A_582 = tpu.vector_load %arg8[%swap3A_579, %swap3A_580, %swap3A_581] {strides = array<i32>} : memref<2x200x64xf32, #tpu.memory_space<vmem>>, vector<16xf32>,
        tpu.vector_store %arg8[%swap3A_579, %swap3A_580, %swap3A_581], %add3A_577 {strides = array<i32>} : memref<2x200x64xf32, #tpu.memory_space<vmem>>, vector<16xf32>,
        %get3A_583 = arith.constant 0 : i32
        %get3A_584 = arith.index_cast %get3A_583 : i32 to index
        %get3A_585 = arith.index_cast %add3A_533 : i32 to index
        %get3A_586 = arith.constant 48 : index
        %get3A_587 = tpu.vector_load %arg8[%get3A_584, %get3A_585, %get3A_586] {strides = array<i32>} : memref<2x200x64xf32, #tpu.memory_space<vmem>>, vector<16xf32>,
        %get3A_588 = arith.index_cast %add3A_533 : i32 to index
        %get3A_589 = arith.constant 48 : index
        %get3A_590 = tpu.vector_load %arg7[%get3A_588, %get3A_589] {strides = array<i32>} : memref<200x64xf32, #tpu.memory_space<vmem>>, vector<16xf32>,
        %mul3A_591 = arith.constant 8.000000e+00 : f32
        %mul3A_592 = vector.broadcast %mul3A_591 : f32 to vector<16xf32>
        %mul3A_593 = arith.mulf %get3A_587, %mul3A_592 : vector<16xf32>
        %add3A_594 = arith.addf %mul3A_593, %get3A_590 : vector<16xf32>
        %swap3A_595 = arith.constant 0 : i32
        %swap3A_596 = arith.index_cast %swap3A_595 : i32 to index
        %swap3A_597 = arith.index_cast %add3A_533 : i32 to index
        %swap3A_598 = arith.constant 48 : index
        %swap3A_599 = tpu.vector_load %arg8[%swap3A_596, %swap3A_597, %swap3A_598] {strides = array<i32>} : memref<2x200x64xf32, #tpu.memory_space<vmem>>, vector<16xf32>,
        tpu.vector_store %arg8[%swap3A_596, %swap3A_597, %swap3A_598], %add3A_594 {strides = array<i32>} : memref<2x200x64xf32, #tpu.memory_space<vmem>>, vector<16xf32>,
        %mul3A_600 = arith.constant 2 : i32
        %mul3A_601 = arith.muli %scan3A_528, %mul3A_600 : i32
        %add3A_602 = arith.constant 1 : i32
        %add3A_603 = arith.addi %mul3A_601, %add3A_602 : i32
        %get3A_604 = arith.constant 0 : i32
        %get3A_605 = arith.index_cast %get3A_604 : i32 to index
        %get3A_606 = arith.index_cast %add3A_603 : i32 to index
        %get3A_607 = arith.constant 0 : index
        %get3A_608 = tpu.vector_load %arg8[%get3A_605, %get3A_606, %get3A_607] {strides = array<i32>} : memref<2x200x64xf32, #tpu.memory_space<vmem>>, vector<16xf32>,
        %get3A_609 = arith.index_cast %add3A_603 : i32 to index
        %get3A_610 = arith.constant 0 : index
        %get3A_611 = tpu.vector_load %arg7[%get3A_609, %get3A_610] {strides = array<i32>} : memref<200x64xf32, #tpu.memory_space<vmem>>, vector<16xf32>,
        %mul3A_612 = arith.constant 8.000000e+00 : f32
        %mul3A_613 = vector.broadcast %mul3A_612 : f32 to vector<16xf32>
        %mul3A_614 = arith.mulf %get3A_608, %mul3A_613 : vector<16xf32>
        %add3A_615 = arith.addf %mul3A_614, %get3A_611 : vector<16xf32>
        %swap3A_616 = arith.constant 0 : i32
        %swap3A_617 = arith.index_cast %swap3A_616 : i32 to index
        %swap3A_618 = arith.index_cast %add3A_603 : i32 to index
        %swap3A_619 = arith.constant 0 : index
        %swap3A_620 = tpu.vector_load %arg8[%swap3A_617, %swap3A_618, %swap3A_619] {strides = array<i32>} : memref<2x200x64xf32, #tpu.memory_space<vmem>>, vector<16xf32>,
        tpu.vector_store %arg8[%swap3A_617, %swap3A_618, %swap3A_619], %add3A_615 {strides = array<i32>} : memref<2x200x64xf32, #tpu.memory_space<vmem>>, vector<16xf32>,
        %get3A_621 = arith.constant 0 : i32
        %get3A_622 = arith.index_cast %get3A_621 : i32 to index
        %get3A_623 = arith.index_cast %add3A_603 : i32 to index
        %get3A_624 = arith.constant 16 : index
        %get3A_625 = tpu.vector_load %arg8[%get3A_622, %get3A_623, %get3A_624] {strides = array<i32>} : memref<2x200x64xf32, #tpu.memory_space<vmem>>, vector<16xf32>,
        %get3A_626 = arith.index_cast %add3A_603 : i32 to index
        %get3A_627 = arith.constant 16 : index
        %get3A_628 = tpu.vector_load %arg7[%get3A_626, %get3A_627] {strides = array<i32>} : memref<200x64xf32, #tpu.memory_space<vmem>>, vector<16xf32>,
        %mul3A_629 = arith.constant 8.000000e+00 : f32
        %mul3A_630 = vector.broadcast %mul3A_629 : f32 to vector<16xf32>
        %mul3A_631 = arith.mulf %get3A_625, %mul3A_630 : vector<16xf32>
        %add3A_632 = arith.addf %mul3A_631, %get3A_628 : vector<16xf32>
        %swap3A_633 = arith.constant 0 : i32
        %swap3A_634 = arith.index_cast %swap3A_633 : i32 to index
        %swap3A_635 = arith.index_cast %add3A_603 : i32 to index
        %swap3A_636 = arith.constant 16 : index
        %swap3A_637 = tpu.vector_load %arg8[%swap3A_634, %swap3A_635, %swap3A_636] {strides = array<i32>} : memref<2x200x64xf32, #tpu.memory_space<vmem>>, vector<16xf32>,
        tpu.vector_store %arg8[%swap3A_634, %swap3A_635, %swap3A_636], %add3A_632 {strides = array<i32>} : memref<2x200x64xf32, #tpu.memory_space<vmem>>, vector<16xf32>,
        %get3A_638 = arith.constant 0 : i32
        %get3A_639 = arith.index_cast %get3A_638 : i32 to index
        %get3A_640 = arith.index_cast %add3A_603 : i32 to index
        %get3A_641 = arith.constant 32 : index
        %get3A_642 = tpu.vector_load %arg8[%get3A_639, %get3A_640, %get3A_641] {strides = array<i32>} : memref<2x200x64xf32, #tpu.memory_space<vmem>>, vector<16xf32>,
        %get3A_643 = arith.index_cast %add3A_603 : i32 to index
        %get3A_644 = arith.constant 32 : index
        %get3A_645 = tpu.vector_load %arg7[%get3A_643, %get3A_644] {strides = array<i32>} : memref<200x64xf32, #tpu.memory_space<vmem>>, vector<16xf32>,
        %mul3A_646 = arith.constant 8.000000e+00 : f32
        %mul3A_647 = vector.broadcast %mul3A_646 : f32 to vector<16xf32>
        %mul3A_648 = arith.mulf %get3A_642, %mul3A_647 : vector<16xf32>
        %add3A_649 = arith.addf %mul3A_648, %get3A_645 : vector<16xf32>
        %swap3A_650 = arith.constant 0 : i32
        %swap3A_651 = arith.index_cast %swap3A_650 : i32 to index
        %swap3A_652 = arith.index_cast %add3A_603 : i32 to index
        %swap3A_653 = arith.constant 32 : index
        %swap3A_654 = tpu.vector_load %arg8[%swap3A_651, %swap3A_652, %swap3A_653] {strides = array<i32>} : memref<2x200x64xf32, #tpu.memory_space<vmem>>, vector<16xf32>,
        tpu.vector_store %arg8[%swap3A_651, %swap3A_652, %swap3A_653], %add3A_649 {strides = array<i32>} : memref<2x200x64xf32, #tpu.memory_space<vmem>>, vector<16xf32>,
        %get3A_655 = arith.constant 0 : i32
        %get3A_656 = arith.index_cast %get3A_655 : i32 to index
        %get3A_657 = arith.index_cast %add3A_603 : i32 to index
        %get3A_658 = arith.constant 48 : index
        %get3A_659 = tpu.vector_load %arg8[%get3A_656, %get3A_657, %get3A_658] {strides = array<i32>} : memref<2x200x64xf32, #tpu.memory_space<vmem>>, vector<16xf32>,
        %get3A_660 = arith.index_cast %add3A_603 : i32 to index
        %get3A_661 = arith.constant 48 : index
        %get3A_662 = tpu.vector_load %arg7[%get3A_660, %get3A_661] {strides = array<i32>} : memref<200x64xf32, #tpu.memory_space<vmem>>, vector<16xf32>,
        %mul3A_663 = arith.constant 8.000000e+00 : f32
        %mul3A_664 = vector.broadcast %mul3A_663 : f32 to vector<16xf32>
        %mul3A_665 = arith.mulf %get3A_659, %mul3A_664 : vector<16xf32>
        %add3A_666 = arith.addf %mul3A_665, %get3A_662 : vector<16xf32>
        %swap3A_667 = arith.constant 0 : i32
        %swap3A_668 = arith.index_cast %swap3A_667 : i32 to index
        %swap3A_669 = arith.index_cast %add3A_603 : i32 to index
        %swap3A_670 = arith.constant 48 : index
        %swap3A_671 = tpu.vector_load %arg8[%swap3A_668, %swap3A_669, %swap3A_670] {strides = array<i32>} : memref<2x200x64xf32, #tpu.memory_space<vmem>>, vector<16xf32>,
        tpu.vector_store %arg8[%swap3A_668, %swap3A_669, %swap3A_670], %add3A_666 {strides = array<i32>} : memref<2x200x64xf32, #tpu.memory_space<vmem>>, vector<16xf32>,
        %scan3A_672 = arith.constant 0 : i32
        scf.yield %scan3A_672 : i32
      }
      %scan3A_416 = arith.constant 100 : i32
      %add3A_417 = arith.addi %mul3A_2, %add3A_346 : i32
      %dma_start3A_418 = arith.constant 0 : i32
      %dma_start3A_419 = arith.constant 0 : i32
      %dma_start3A_420 = arith.constant 0 : i32
      %dma_start3A_421 = tpu.memref_slice %arg8[%dma_start3A_418, %dma_start3A_419, %dma_start3A_420] : memref<2x200x64xf32, #tpu.memory_space<vmem>> -> memref<1x200x64xf32, #tpu.memory_space<vmem>>
      %dma_start3A_422 = tpu.memref_squeeze %dma_start3A_421 : memref<1x200x64xf32, #tpu.memory_space<vmem>> -> memref<200x64xf32, #tpu.memory_space<vmem>>
      %dma_start3A_423 = arith.constant 0 : i32
      %dma_start3A_424 = arith.constant 0 : i32
      %dma_start3A_425 = tpu.memref_slice %arg5[%add3A_417, %dma_start3A_423, %dma_start3A_424] : memref<4096x200x128xf32, #tpu.memory_space<hbm>> -> memref<1x200x64xf32, #tpu.memory_space<hbm>>
      %dma_start3A_426 = tpu.memref_squeeze %dma_start3A_425 : memref<1x200x64xf32, #tpu.memory_space<hbm>> -> memref<200x64xf32, #tpu.memory_space<hbm>>
      %dma_start3A_427 = arith.constant 0 : i32
      %dma_start3A_428 = arith.constant 0 : i32
      %dma_start3A_429 = tpu.memref_slice %arg5[%add3A_417, %dma_start3A_427, %dma_start3A_428] : memref<4096x200x128xf32, #tpu.memory_space<hbm>> -> memref<1x200x64xf32, #tpu.memory_space<hbm>>
      %dma_start3A_430 = tpu.memref_squeeze %dma_start3A_429 : memref<1x200x64xf32, #tpu.memory_space<hbm>> -> memref<200x64xf32, #tpu.memory_space<hbm>>
      %dma_start3A_431 = arith.constant 0 : i32
      %dma_start3A_432 = arith.constant 0 : i32
      %dma_start3A_433 = tpu.memref_slice %arg8[%dma_start3A_418, %dma_start3A_431, %dma_start3A_432] : memref<2x200x64xf32, #tpu.memory_space<vmem>> -> memref<1x200x64xf32, #tpu.memory_space<vmem>>
      %dma_start3A_434 = tpu.memref_squeeze %dma_start3A_433 : memref<1x200x64xf32, #tpu.memory_space<vmem>> -> memref<200x64xf32, #tpu.memory_space<vmem>>
      tpu.enqueue_dma source(%dma_start3A_434 : memref<200x64xf32, #tpu.memory_space<vmem>>) target(%dma_start3A_430 : memref<200x64xf32, #tpu.memory_space<hbm>>) target_semaphore(%arg10 : memref<!tpu.dma_semaphore, #tpu.memory_space<semaphore_mem>>)
      %mul3A_435 = arith.constant 2 : i32
      %mul3A_436 = arith.muli %scan3A_341, %mul3A_435 : i32
      %add3A_437 = arith.constant 1 : i32
      %add3A_438 = arith.addi %mul3A_436, %add3A_437 : i32
      %dma_wait3A_439 = arith.constant 1 : i32
      %dma_wait3A_440 = arith.constant 0 : i32
      %dma_wait3A_441 = arith.constant 0 : i32
      %dma_wait3A_442 = tpu.memref_slice %arg8[%dma_wait3A_439, %dma_wait3A_440, %dma_wait3A_441] : memref<2x200x64xf32, #tpu.memory_space<vmem>> -> memref<1x200x64xf32, #tpu.memory_space<vmem>>
      %dma_wait3A_443 = tpu.memref_squeeze %dma_wait3A_442 : memref<1x200x64xf32, #tpu.memory_space<vmem>> -> memref<200x64xf32, #tpu.memory_space<vmem>>
      %dma_wait3A_444 = arith.constant 0 : i32
      %dma_wait3A_445 = arith.constant 0 : i32
      %dma_wait3A_446 = tpu.memref_slice %arg3[%dma_wait3A_444, %dma_wait3A_445] : memref<2000000x64xf32, #tpu.memory_space<hbm>> -> memref<200x64xf32, #tpu.memory_space<hbm>>
      %dma_wait3A_447 = arith.constant 0 : i32
      %dma_wait3A_448 = arith.constant 0 : i32
      %dma_wait3A_449 = tpu.memref_slice %arg8[%dma_wait3A_439, %dma_wait3A_447, %dma_wait3A_448] : memref<2x200x64xf32, #tpu.memory_space<vmem>> -> memref<1x200x64xf32, #tpu.memory_space<vmem>>
      %dma_wait3A_450 = tpu.memref_squeeze %dma_wait3A_449 : memref<1x200x64xf32, #tpu.memory_space<vmem>> -> memref<200x64xf32, #tpu.memory_space<vmem>>
      %dma_wait3A_451 = arith.constant 0 : i32
      %dma_wait3A_452 = arith.constant 0 : i32
      %dma_wait3A_453 = tpu.memref_slice %arg3[%dma_wait3A_451, %dma_wait3A_452] : memref<2000000x64xf32, #tpu.memory_space<hbm>> -> memref<200x64xf32, #tpu.memory_space<hbm>>
      tpu.wait_dma2 semaphore(%arg9 : memref<!tpu.dma_semaphore, #tpu.memory_space<semaphore_mem>>) src(%dma_wait3A_453 : memref<200x64xf32, #tpu.memory_space<hbm>>) dst(%dma_wait3A_450 : memref<200x64xf32, #tpu.memory_space<vmem>>)
      %dma_wait3A_454 = arith.constant 0 : i32
      %dma_wait3A_455 = arith.constant 0 : i32
      %dma_wait3A_456 = arith.constant 0 : i32
      %dma_wait3A_457 = arith.constant 0 : i32
      %dma_wait3A_458 = tpu.memref_slice %arg8[%dma_wait3A_454, %dma_wait3A_456, %dma_wait3A_457] : memref<2x200x64xf32, #tpu.memory_space<vmem>> -> memref<1x200x64xf32, #tpu.memory_space<vmem>>
      %dma_wait3A_459 = tpu.memref_squeeze %dma_wait3A_458 : memref<1x200x64xf32, #tpu.memory_space<vmem>> -> memref<200x64xf32, #tpu.memory_space<vmem>>
      %dma_wait3A_460 = arith.constant 0 : i32
      %dma_wait3A_461 = arith.constant 0 : i32
      %dma_wait3A_462 = tpu.memref_slice %arg5[%dma_wait3A_455, %dma_wait3A_460, %dma_wait3A_461] : memref<4096x200x128xf32, #tpu.memory_space<hbm>> -> memref<1x200x64xf32, #tpu.memory_space<hbm>>
      %dma_wait3A_463 = tpu.memref_squeeze %dma_wait3A_462 : memref<1x200x64xf32, #tpu.memory_space<hbm>> -> memref<200x64xf32, #tpu.memory_space<hbm>>
      %dma_wait3A_464 = arith.constant 0 : i32
      %dma_wait3A_465 = arith.constant 0 : i32
      %dma_wait3A_466 = tpu.memref_slice %arg5[%dma_wait3A_455, %dma_wait3A_464, %dma_wait3A_465] : memref<4096x200x128xf32, #tpu.memory_space<hbm>> -> memref<1x200x64xf32, #tpu.memory_space<hbm>>
      %dma_wait3A_467 = tpu.memref_squeeze %dma_wait3A_466 : memref<1x200x64xf32, #tpu.memory_space<hbm>> -> memref<200x64xf32, #tpu.memory_space<hbm>>
      %dma_wait3A_468 = arith.constant 0 : i32
      %dma_wait3A_469 = arith.constant 0 : i32
      %dma_wait3A_470 = tpu.memref_slice %arg8[%dma_wait3A_454, %dma_wait3A_468, %dma_wait3A_469] : memref<2x200x64xf32, #tpu.memory_space<vmem>> -> memref<1x200x64xf32, #tpu.memory_space<vmem>>
      %dma_wait3A_471 = tpu.memref_squeeze %dma_wait3A_470 : memref<1x200x64xf32, #tpu.memory_space<vmem>> -> memref<200x64xf32, #tpu.memory_space<vmem>>
      tpu.wait_dma2 semaphore(%arg10 : memref<!tpu.dma_semaphore, #tpu.memory_space<semaphore_mem>>) src(%dma_wait3A_471 : memref<200x64xf32, #tpu.memory_space<vmem>>) dst(%dma_wait3A_467 : memref<200x64xf32, #tpu.memory_space<hbm>>)
      %add3A_472 = arith.constant 1 : i32
      %add3A_473 = arith.addi %add3A_438, %add3A_472 : i32
      %mul3A_474 = arith.constant 2 : i32
      %mul3A_475 = arith.muli %mul3A_474, %add3A_473 : i32
      %dma_start3A_476 = arith.constant 0 : i32
      %dma_start3A_477 = arith.constant 0 : i32
      %dma_start3A_478 = arith.constant 0 : i32
      %dma_start3A_479 = tpu.memref_slice %arg8[%dma_start3A_476, %dma_start3A_477, %dma_start3A_478] : memref<2x200x64xf32, #tpu.memory_space<vmem>> -> memref<1x100x64xf32, #tpu.memory_space<vmem>>
      %dma_start3A_480 = tpu.memref_squeeze %dma_start3A_479 : memref<1x100x64xf32, #tpu.memory_space<vmem>> -> memref<100x64xf32, #tpu.memory_space<vmem>>
      %dma_start3A_481 = arith.constant 0 : i32
      %dma_start3A_482 = tpu.memref_slice %arg6[%mul3A_475, %dma_start3A_481] : memref<256x100xi32, #tpu.memory_space<vmem>> -> memref<1x100xi32, #tpu.memory_space<vmem>>
      %dma_start3A_483 = tpu.memref_squeeze %dma_start3A_482 : memref<1x100xi32, #tpu.memory_space<vmem>> -> memref<100xi32, #tpu.memory_space<vmem>>
      %dma_start3A_484 = arith.constant 0 : i32
      %dma_start3A_485 = arith.constant 0 : i32
      %dma_start3A_486 = tpu.memref_slice %arg3[%dma_start3A_484, %dma_start3A_485] : memref<2000000x64xf32, #tpu.memory_space<hbm>> -> memref<2000000x64xf32, #tpu.memory_space<hbm>>
      tpu.enqueue_indirect_dma source(%dma_start3A_486 : memref<2000000x64xf32, #tpu.memory_space<hbm>>) target(%dma_start3A_480 : memref<100x64xf32, #tpu.memory_space<vmem>>) offsets(%dma_start3A_483 : memref<100xi32, #tpu.memory_space<vmem>>) semaphore(%arg9 : memref<!tpu.dma_semaphore, #tpu.memory_space<semaphore_mem>>)
      %mul3A_487 = arith.constant 2 : i32
      %mul3A_488 = arith.muli %mul3A_487, %add3A_473 : i32
      %add3A_489 = arith.constant 1 : i32
      %add3A_490 = arith.addi %mul3A_488, %add3A_489 : i32
      %dma_start3A_491 = arith.constant 0 : i32
      %dma_start3A_492 = arith.constant 100 : i32
      %dma_start3A_493 = arith.constant 0 : i32
      %dma_start3A_494 = tpu.memref_slice %arg8[%dma_start3A_491, %dma_start3A_492, %dma_start3A_493] : memref<2x200x64xf32, #tpu.memory_space<vmem>> -> memref<1x100x64xf32, #tpu.memory_space<vmem>>
      %dma_start3A_495 = tpu.memref_squeeze %dma_start3A_494 : memref<1x100x64xf32, #tpu.memory_space<vmem>> -> memref<100x64xf32, #tpu.memory_space<vmem>>
      %dma_start3A_496 = arith.constant 0 : i32
      %dma_start3A_497 = tpu.memref_slice %arg6[%add3A_490, %dma_start3A_496] : memref<256x100xi32, #tpu.memory_space<vmem>> -> memref<1x100xi32, #tpu.memory_space<vmem>>
      %dma_start3A_498 = tpu.memref_squeeze %dma_start3A_497 : memref<1x100xi32, #tpu.memory_space<vmem>> -> memref<100xi32, #tpu.memory_space<vmem>>
      %dma_start3A_499 = arith.constant 0 : i32
      %dma_start3A_500 = arith.constant 0 : i32
      %dma_start3A_501 = tpu.memref_slice %arg3[%dma_start3A_499, %dma_start3A_500] : memref<2000000x64xf32, #tpu.memory_space<hbm>> -> memref<2000000x64xf32, #tpu.memory_space<hbm>>
      tpu.enqueue_indirect_dma source(%dma_start3A_501 : memref<2000000x64xf32, #tpu.memory_space<hbm>>) target(%dma_start3A_495 : memref<100x64xf32, #tpu.memory_space<vmem>>) offsets(%dma_start3A_498 : memref<100xi32, #tpu.memory_space<vmem>>) semaphore(%arg9 : memref<!tpu.dma_semaphore, #tpu.memory_space<semaphore_mem>>)
      %scan3A_502 = arith.constant 0 : i32
      %scan3A_503 = arith.constant 0 : i32
      %scan3A_504 = arith.constant 100 : i32
      %scan3A_505 = arith.addi %scan3A_503, %scan3A_504 : i32
      %scan3A_506 = arith.constant 1 : i32
      %scan3A_507 = scf.for %scan3A_528 = %scan3A_503 to %scan3A_505 step %scan3A_506 iter_args(%scan3A_529 = %scan3A_502) -> (i32)  : i32 {
        %mul3A_530 = arith.constant 2 : i32
        %mul3A_531 = arith.muli %scan3A_528, %mul3A_530 : i32
        %add3A_532 = arith.constant 0 : i32
        %add3A_533 = arith.addi %mul3A_531, %add3A_532 : i32
        %get3A = arith.constant 1 : i32
        %get3A_534 = arith.index_cast %get3A : i32 to index
        %get3A_535 = arith.index_cast %add3A_533 : i32 to index
        %get3A_536 = arith.constant 0 : index
        %get3A_537 = tpu.vector_load %arg8[%get3A_534, %get3A_535, %get3A_536] {strides = array<i32>} : memref<2x200x64xf32, #tpu.memory_space<vmem>>, vector<16xf32>,
        %get3A_538 = arith.index_cast %add3A_533 : i32 to index
        %get3A_539 = arith.constant 0 : index
        %get3A_540 = tpu.vector_load %arg7[%get3A_538, %get3A_539] {strides = array<i32>} : memref<200x64xf32, #tpu.memory_space<vmem>>, vector<16xf32>,
        %mul3A_541 = arith.constant 8.000000e+00 : f32
        %mul3A_542 = vector.broadcast %mul3A_541 : f32 to vector<16xf32>
        %mul3A_543 = arith.mulf %get3A_537, %mul3A_542 : vector<16xf32>
        %add3A_544 = arith.addf %mul3A_543, %get3A_540 : vector<16xf32>
        %swap3A = arith.constant 1 : i32
        %swap3A_545 = arith.index_cast %swap3A : i32 to index
        %swap3A_546 = arith.index_cast %add3A_533 : i32 to index
        %swap3A_547 = arith.constant 0 : index
        %swap3A_548 = tpu.vector_load %arg8[%swap3A_545, %swap3A_546, %swap3A_547] {strides = array<i32>} : memref<2x200x64xf32, #tpu.memory_space<vmem>>, vector<16xf32>,
        tpu.vector_store %arg8[%swap3A_545, %swap3A_546, %swap3A_547], %add3A_544 {strides = array<i32>} : memref<2x200x64xf32, #tpu.memory_space<vmem>>, vector<16xf32>,
        %get3A_549 = arith.constant 1 : i32
        %get3A_550 = arith.index_cast %get3A_549 : i32 to index
        %get3A_551 = arith.index_cast %add3A_533 : i32 to index
        %get3A_552 = arith.constant 16 : index
        %get3A_553 = tpu.vector_load %arg8[%get3A_550, %get3A_551, %get3A_552] {strides = array<i32>} : memref<2x200x64xf32, #tpu.memory_space<vmem>>, vector<16xf32>,
        %get3A_554 = arith.index_cast %add3A_533 : i32 to index
        %get3A_555 = arith.constant 16 : index
        %get3A_556 = tpu.vector_load %arg7[%get3A_554, %get3A_555] {strides = array<i32>} : memref<200x64xf32, #tpu.memory_space<vmem>>, vector<16xf32>,
        %mul3A_557 = arith.constant 8.000000e+00 : f32
        %mul3A_558 = vector.broadcast %mul3A_557 : f32 to vector<16xf32>
        %mul3A_559 = arith.mulf %get3A_553, %mul3A_558 : vector<16xf32>
        %add3A_560 = arith.addf %mul3A_559, %get3A_556 : vector<16xf32>
        %swap3A_561 = arith.constant 1 : i32
        %swap3A_562 = arith.index_cast %swap3A_561 : i32 to index
        %swap3A_563 = arith.index_cast %add3A_533 : i32 to index
        %swap3A_564 = arith.constant 16 : index
        %swap3A_565 = tpu.vector_load %arg8[%swap3A_562, %swap3A_563, %swap3A_564] {strides = array<i32>} : memref<2x200x64xf32, #tpu.memory_space<vmem>>, vector<16xf32>,
        tpu.vector_store %arg8[%swap3A_562, %swap3A_563, %swap3A_564], %add3A_560 {strides = array<i32>} : memref<2x200x64xf32, #tpu.memory_space<vmem>>, vector<16xf32>,
        %get3A_566 = arith.constant 1 : i32
        %get3A_567 = arith.index_cast %get3A_566 : i32 to index
        %get3A_568 = arith.index_cast %add3A_533 : i32 to index
        %get3A_569 = arith.constant 32 : index
        %get3A_570 = tpu.vector_load %arg8[%get3A_567, %get3A_568, %get3A_569] {strides = array<i32>} : memref<2x200x64xf32, #tpu.memory_space<vmem>>, vector<16xf32>,
        %get3A_571 = arith.index_cast %add3A_533 : i32 to index
        %get3A_572 = arith.constant 32 : index
        %get3A_573 = tpu.vector_load %arg7[%get3A_571, %get3A_572] {strides = array<i32>} : memref<200x64xf32, #tpu.memory_space<vmem>>, vector<16xf32>,
        %mul3A_574 = arith.constant 8.000000e+00 : f32
        %mul3A_575 = vector.broadcast %mul3A_574 : f32 to vector<16xf32>
        %mul3A_576 = arith.mulf %get3A_570, %mul3A_575 : vector<16xf32>
        %add3A_577 = arith.addf %mul3A_576, %get3A_573 : vector<16xf32>
        %swap3A_578 = arith.constant 1 : i32
        %swap3A_579 = arith.index_cast %swap3A_578 : i32 to index
        %swap3A_580 = arith.index_cast %add3A_533 : i32 to index
        %swap3A_581 = arith.constant 32 : index
        %swap3A_582 = tpu.vector_load %arg8[%swap3A_579, %swap3A_580, %swap3A_581] {strides = array<i32>} : memref<2x200x64xf32, #tpu.memory_space<vmem>>, vector<16xf32>,
        tpu.vector_store %arg8[%swap3A_579, %swap3A_580, %swap3A_581], %add3A_577 {strides = array<i32>} : memref<2x200x64xf32, #tpu.memory_space<vmem>>, vector<16xf32>,
        %get3A_583 = arith.constant 1 : i32
        %get3A_584 = arith.index_cast %get3A_583 : i32 to index
        %get3A_585 = arith.index_cast %add3A_533 : i32 to index
        %get3A_586 = arith.constant 48 : index
        %get3A_587 = tpu.vector_load %arg8[%get3A_584, %get3A_585, %get3A_586] {strides = array<i32>} : memref<2x200x64xf32, #tpu.memory_space<vmem>>, vector<16xf32>,
        %get3A_588 = arith.index_cast %add3A_533 : i32 to index
        %get3A_589 = arith.constant 48 : index
        %get3A_590 = tpu.vector_load %arg7[%get3A_588, %get3A_589] {strides = array<i32>} : memref<200x64xf32, #tpu.memory_space<vmem>>, vector<16xf32>,
        %mul3A_591 = arith.constant 8.000000e+00 : f32
        %mul3A_592 = vector.broadcast %mul3A_591 : f32 to vector<16xf32>
        %mul3A_593 = arith.mulf %get3A_587, %mul3A_592 : vector<16xf32>
        %add3A_594 = arith.addf %mul3A_593, %get3A_590 : vector<16xf32>
        %swap3A_595 = arith.constant 1 : i32
        %swap3A_596 = arith.index_cast %swap3A_595 : i32 to index
        %swap3A_597 = arith.index_cast %add3A_533 : i32 to index
        %swap3A_598 = arith.constant 48 : index
        %swap3A_599 = tpu.vector_load %arg8[%swap3A_596, %swap3A_597, %swap3A_598] {strides = array<i32>} : memref<2x200x64xf32, #tpu.memory_space<vmem>>, vector<16xf32>,
        tpu.vector_store %arg8[%swap3A_596, %swap3A_597, %swap3A_598], %add3A_594 {strides = array<i32>} : memref<2x200x64xf32, #tpu.memory_space<vmem>>, vector<16xf32>,
        %mul3A_600 = arith.constant 2 : i32
        %mul3A_601 = arith.muli %scan3A_528, %mul3A_600 : i32
        %add3A_602 = arith.constant 1 : i32
        %add3A_603 = arith.addi %mul3A_601, %add3A_602 : i32
        %get3A_604 = arith.constant 1 : i32
        %get3A_605 = arith.index_cast %get3A_604 : i32 to index
        %get3A_606 = arith.index_cast %add3A_603 : i32 to index
        %get3A_607 = arith.constant 0 : index
        %get3A_608 = tpu.vector_load %arg8[%get3A_605, %get3A_606, %get3A_607] {strides = array<i32>} : memref<2x200x64xf32, #tpu.memory_space<vmem>>, vector<16xf32>,
        %get3A_609 = arith.index_cast %add3A_603 : i32 to index
        %get3A_610 = arith.constant 0 : index
        %get3A_611 = tpu.vector_load %arg7[%get3A_609, %get3A_610] {strides = array<i32>} : memref<200x64xf32, #tpu.memory_space<vmem>>, vector<16xf32>,
        %mul3A_612 = arith.constant 8.000000e+00 : f32
        %mul3A_613 = vector.broadcast %mul3A_612 : f32 to vector<16xf32>
        %mul3A_614 = arith.mulf %get3A_608, %mul3A_613 : vector<16xf32>
        %add3A_615 = arith.addf %mul3A_614, %get3A_611 : vector<16xf32>
        %swap3A_616 = arith.constant 1 : i32
        %swap3A_617 = arith.index_cast %swap3A_616 : i32 to index
        %swap3A_618 = arith.index_cast %add3A_603 : i32 to index
        %swap3A_619 = arith.constant 0 : index
        %swap3A_620 = tpu.vector_load %arg8[%swap3A_617, %swap3A_618, %swap3A_619] {strides = array<i32>} : memref<2x200x64xf32, #tpu.memory_space<vmem>>, vector<16xf32>,
        tpu.vector_store %arg8[%swap3A_617, %swap3A_618, %swap3A_619], %add3A_615 {strides = array<i32>} : memref<2x200x64xf32, #tpu.memory_space<vmem>>, vector<16xf32>,
        %get3A_621 = arith.constant 1 : i32
        %get3A_622 = arith.index_cast %get3A_621 : i32 to index
        %get3A_623 = arith.index_cast %add3A_603 : i32 to index
        %get3A_624 = arith.constant 16 : index
        %get3A_625 = tpu.vector_load %arg8[%get3A_622, %get3A_623, %get3A_624] {strides = array<i32>} : memref<2x200x64xf32, #tpu.memory_space<vmem>>, vector<16xf32>,
        %get3A_626 = arith.index_cast %add3A_603 : i32 to index
        %get3A_627 = arith.constant 16 : index
        %get3A_628 = tpu.vector_load %arg7[%get3A_626, %get3A_627] {strides = array<i32>} : memref<200x64xf32, #tpu.memory_space<vmem>>, vector<16xf32>,
        %mul3A_629 = arith.constant 8.000000e+00 : f32
        %mul3A_630 = vector.broadcast %mul3A_629 : f32 to vector<16xf32>
        %mul3A_631 = arith.mulf %get3A_625, %mul3A_630 : vector<16xf32>
        %add3A_632 = arith.addf %mul3A_631, %get3A_628 : vector<16xf32>
        %swap3A_633 = arith.constant 1 : i32
        %swap3A_634 = arith.index_cast %swap3A_633 : i32 to index
        %swap3A_635 = arith.index_cast %add3A_603 : i32 to index
        %swap3A_636 = arith.constant 16 : index
        %swap3A_637 = tpu.vector_load %arg8[%swap3A_634, %swap3A_635, %swap3A_636] {strides = array<i32>} : memref<2x200x64xf32, #tpu.memory_space<vmem>>, vector<16xf32>,
        tpu.vector_store %arg8[%swap3A_634, %swap3A_635, %swap3A_636], %add3A_632 {strides = array<i32>} : memref<2x200x64xf32, #tpu.memory_space<vmem>>, vector<16xf32>,
        %get3A_638 = arith.constant 1 : i32
        %get3A_639 = arith.index_cast %get3A_638 : i32 to index
        %get3A_640 = arith.index_cast %add3A_603 : i32 to index
        %get3A_641 = arith.constant 32 : index
        %get3A_642 = tpu.vector_load %arg8[%get3A_639, %get3A_640, %get3A_641] {strides = array<i32>} : memref<2x200x64xf32, #tpu.memory_space<vmem>>, vector<16xf32>,
        %get3A_643 = arith.index_cast %add3A_603 : i32 to index
        %get3A_644 = arith.constant 32 : index
        %get3A_645 = tpu.vector_load %arg7[%get3A_643, %get3A_644] {strides = array<i32>} : memref<200x64xf32, #tpu.memory_space<vmem>>, vector<16xf32>,
        %mul3A_646 = arith.constant 8.000000e+00 : f32
        %mul3A_647 = vector.broadcast %mul3A_646 : f32 to vector<16xf32>
        %mul3A_648 = arith.mulf %get3A_642, %mul3A_647 : vector<16xf32>
        %add3A_649 = arith.addf %mul3A_648, %get3A_645 : vector<16xf32>
        %swap3A_650 = arith.constant 1 : i32
        %swap3A_651 = arith.index_cast %swap3A_650 : i32 to index
        %swap3A_652 = arith.index_cast %add3A_603 : i32 to index
        %swap3A_653 = arith.constant 32 : index
        %swap3A_654 = tpu.vector_load %arg8[%swap3A_651, %swap3A_652, %swap3A_653] {strides = array<i32>} : memref<2x200x64xf32, #tpu.memory_space<vmem>>, vector<16xf32>,
        tpu.vector_store %arg8[%swap3A_651, %swap3A_652, %swap3A_653], %add3A_649 {strides = array<i32>} : memref<2x200x64xf32, #tpu.memory_space<vmem>>, vector<16xf32>,
        %get3A_655 = arith.constant 1 : i32
        %get3A_656 = arith.index_cast %get3A_655 : i32 to index
        %get3A_657 = arith.index_cast %add3A_603 : i32 to index
        %get3A_658 = arith.constant 48 : index
        %get3A_659 = tpu.vector_load %arg8[%get3A_656, %get3A_657, %get3A_658] {strides = array<i32>} : memref<2x200x64xf32, #tpu.memory_space<vmem>>, vector<16xf32>,
        %get3A_660 = arith.index_cast %add3A_603 : i32 to index
        %get3A_661 = arith.constant 48 : index
        %get3A_662 = tpu.vector_load %arg7[%get3A_660, %get3A_661] {strides = array<i32>} : memref<200x64xf32, #tpu.memory_space<vmem>>, vector<16xf32>,
        %mul3A_663 = arith.constant 8.000000e+00 : f32
        %mul3A_664 = vector.broadcast %mul3A_663 : f32 to vector<16xf32>
        %mul3A_665 = arith.mulf %get3A_659, %mul3A_664 : vector<16xf32>
        %add3A_666 = arith.addf %mul3A_665, %get3A_662 : vector<16xf32>
        %swap3A_667 = arith.constant 1 : i32
        %swap3A_668 = arith.index_cast %swap3A_667 : i32 to index
        %swap3A_669 = arith.index_cast %add3A_603 : i32 to index
        %swap3A_670 = arith.constant 48 : index
        %swap3A_671 = tpu.vector_load %arg8[%swap3A_668, %swap3A_669, %swap3A_670] {strides = array<i32>} : memref<2x200x64xf32, #tpu.memory_space<vmem>>, vector<16xf32>,
        tpu.vector_store %arg8[%swap3A_668, %swap3A_669, %swap3A_670], %add3A_666 {strides = array<i32>} : memref<2x200x64xf32, #tpu.memory_space<vmem>>, vector<16xf32>,
        %scan3A_672 = arith.constant 0 : i32
        scf.yield %scan3A_672 : i32
      }
      %scan3A_508 = arith.constant 100 : i32
      %add3A_509 = arith.addi %mul3A_2, %add3A_438 : i32
      %dma_start3A_510 = arith.constant 1 : i32
      %dma_start3A_511 = arith.constant 0 : i32
      %dma_start3A_512 = arith.constant 0 : i32
      %dma_start3A_513 = tpu.memref_slice %arg8[%dma_start3A_510, %dma_start3A_511, %dma_start3A_512] : memref<2x200x64xf32, #tpu.memory_space<vmem>> -> memref<1x200x64xf32, #tpu.memory_space<vmem>>
      %dma_start3A_514 = tpu.memref_squeeze %dma_start3A_513 : memref<1x200x64xf32, #tpu.memory_space<vmem>> -> memref<200x64xf32, #tpu.memory_space<vmem>>
      %dma_start3A_515 = arith.constant 0 : i32
      %dma_start3A_516 = arith.constant 0 : i32
      %dma_start3A_517 = tpu.memref_slice %arg5[%add3A_509, %dma_start3A_515, %dma_start3A_516] : memref<4096x200x128xf32, #tpu.memory_space<hbm>> -> memref<1x200x64xf32, #tpu.memory_space<hbm>>
      %dma_start3A_518 = tpu.memref_squeeze %dma_start3A_517 : memref<1x200x64xf32, #tpu.memory_space<hbm>> -> memref<200x64xf32, #tpu.memory_space<hbm>>
      %dma_start3A_519 = arith.constant 0 : i32
      %dma_start3A_520 = arith.constant 0 : i32
      %dma_start3A_521 = tpu.memref_slice %arg5[%add3A_509, %dma_start3A_519, %dma_start3A_520] : memref<4096x200x128xf32, #tpu.memory_space<hbm>> -> memref<1x200x64xf32, #tpu.memory_space<hbm>>
      %dma_start3A_522 = tpu.memref_squeeze %dma_start3A_521 : memref<1x200x64xf32, #tpu.memory_space<hbm>> -> memref<200x64xf32, #tpu.memory_space<hbm>>
      %dma_start3A_523 = arith.constant 0 : i32
      %dma_start3A_524 = arith.constant 0 : i32
      %dma_start3A_525 = tpu.memref_slice %arg8[%dma_start3A_510, %dma_start3A_523, %dma_start3A_524] : memref<2x200x64xf32, #tpu.memory_space<vmem>> -> memref<1x200x64xf32, #tpu.memory_space<vmem>>
      %dma_start3A_526 = tpu.memref_squeeze %dma_start3A_525 : memref<1x200x64xf32, #tpu.memory_space<vmem>> -> memref<200x64xf32, #tpu.memory_space<vmem>>
      tpu.enqueue_dma source(%dma_start3A_526 : memref<200x64xf32, #tpu.memory_space<vmem>>) target(%dma_start3A_522 : memref<200x64xf32, #tpu.memory_space<hbm>>) target_semaphore(%arg10 : memref<!tpu.dma_semaphore, #tpu.memory_space<semaphore_mem>>)
      %scan3A_527 = arith.constant 0 : i32
      scf.yield %scan3A_527 : i32
    }
    %scan3A_180 = arith.constant 62 : i32
    %dma_wait3A_181 = arith.constant 0 : i32
    %dma_wait3A_182 = arith.constant 0 : i32
    %dma_wait3A_183 = arith.constant 0 : i32
    %dma_wait3A_184 = tpu.memref_slice %arg8[%dma_wait3A_181, %dma_wait3A_182, %dma_wait3A_183] : memref<2x200x64xf32, #tpu.memory_space<vmem>> -> memref<1x200x64xf32, #tpu.memory_space<vmem>>
    %dma_wait3A_185 = tpu.memref_squeeze %dma_wait3A_184 : memref<1x200x64xf32, #tpu.memory_space<vmem>> -> memref<200x64xf32, #tpu.memory_space<vmem>>
    %dma_wait3A_186 = arith.constant 0 : i32
    %dma_wait3A_187 = arith.constant 0 : i32
    %dma_wait3A_188 = tpu.memref_slice %arg3[%dma_wait3A_186, %dma_wait3A_187] : memref<2000000x64xf32, #tpu.memory_space<hbm>> -> memref<200x64xf32, #tpu.memory_space<hbm>>
    %dma_wait3A_189 = arith.constant 0 : i32
    %dma_wait3A_190 = arith.constant 0 : i32
    %dma_wait3A_191 = tpu.memref_slice %arg8[%dma_wait3A_181, %dma_wait3A_189, %dma_wait3A_190] : memref<2x200x64xf32, #tpu.memory_space<vmem>> -> memref<1x200x64xf32, #tpu.memory_space<vmem>>
    %dma_wait3A_192 = tpu.memref_squeeze %dma_wait3A_191 : memref<1x200x64xf32, #tpu.memory_space<vmem>> -> memref<200x64xf32, #tpu.memory_space<vmem>>
    %dma_wait3A_193 = arith.constant 0 : i32
    %dma_wait3A_194 = arith.constant 0 : i32
    %dma_wait3A_195 = tpu.memref_slice %arg3[%dma_wait3A_193, %dma_wait3A_194] : memref<2000000x64xf32, #tpu.memory_space<hbm>> -> memref<200x64xf32, #tpu.memory_space<hbm>>
    tpu.wait_dma2 semaphore(%arg9 : memref<!tpu.dma_semaphore, #tpu.memory_space<semaphore_mem>>) src(%dma_wait3A_195 : memref<200x64xf32, #tpu.memory_space<hbm>>) dst(%dma_wait3A_192 : memref<200x64xf32, #tpu.memory_space<vmem>>)
    %dma_wait3A_196 = arith.constant 1 : i32
    %dma_wait3A_197 = arith.constant 0 : i32
    %dma_wait3A_198 = arith.constant 0 : i32
    %dma_wait3A_199 = arith.constant 0 : i32
    %dma_wait3A_200 = tpu.memref_slice %arg8[%dma_wait3A_196, %dma_wait3A_198, %dma_wait3A_199] : memref<2x200x64xf32, #tpu.memory_space<vmem>> -> memref<1x200x64xf32, #tpu.memory_space<vmem>>
    %dma_wait3A_201 = tpu.memref_squeeze %dma_wait3A_200 : memref<1x200x64xf32, #tpu.memory_space<vmem>> -> memref<200x64xf32, #tpu.memory_space<vmem>>
    %dma_wait3A_202 = arith.constant 0 : i32
    %dma_wait3A_203 = arith.constant 0 : i32
    %dma_wait3A_204 = tpu.memref_slice %arg5[%dma_wait3A_197, %dma_wait3A_202, %dma_wait3A_203] : memref<4096x200x128xf32, #tpu.memory_space<hbm>> -> memref<1x200x64xf32, #tpu.memory_space<hbm>>
    %dma_wait3A_205 = tpu.memref_squeeze %dma_wait3A_204 : memref<1x200x64xf32, #tpu.memory_space<hbm>> -> memref<200x64xf32, #tpu.memory_space<hbm>>
    %dma_wait3A_206 = arith.constant 0 : i32
    %dma_wait3A_207 = arith.constant 0 : i32
    %dma_wait3A_208 = tpu.memref_slice %arg5[%dma_wait3A_197, %dma_wait3A_206, %dma_wait3A_207] : memref<4096x200x128xf32, #tpu.memory_space<hbm>> -> memref<1x200x64xf32, #tpu.memory_space<hbm>>
    %dma_wait3A_209 = tpu.memref_squeeze %dma_wait3A_208 : memref<1x200x64xf32, #tpu.memory_space<hbm>> -> memref<200x64xf32, #tpu.memory_space<hbm>>
    %dma_wait3A_210 = arith.constant 0 : i32
    %dma_wait3A_211 = arith.constant 0 : i32
    %dma_wait3A_212 = tpu.memref_slice %arg8[%dma_wait3A_196, %dma_wait3A_210, %dma_wait3A_211] : memref<2x200x64xf32, #tpu.memory_space<vmem>> -> memref<1x200x64xf32, #tpu.memory_space<vmem>>
    %dma_wait3A_213 = tpu.memref_squeeze %dma_wait3A_212 : memref<1x200x64xf32, #tpu.memory_space<vmem>> -> memref<200x64xf32, #tpu.memory_space<vmem>>
    tpu.wait_dma2 semaphore(%arg10 : memref<!tpu.dma_semaphore, #tpu.memory_space<semaphore_mem>>) src(%dma_wait3A_213 : memref<200x64xf32, #tpu.memory_space<vmem>>) dst(%dma_wait3A_209 : memref<200x64xf32, #tpu.memory_space<hbm>>)
    %dma_start3A_214 = arith.constant 254 : i32
    %dma_start3A_215 = arith.constant 1 : i32
    %dma_start3A_216 = arith.constant 0 : i32
    %dma_start3A_217 = arith.constant 0 : i32
    %dma_start3A_218 = tpu.memref_slice %arg8[%dma_start3A_215, %dma_start3A_216, %dma_start3A_217] : memref<2x200x64xf32, #tpu.memory_space<vmem>> -> memref<1x100x64xf32, #tpu.memory_space<vmem>>
    %dma_start3A_219 = tpu.memref_squeeze %dma_start3A_218 : memref<1x100x64xf32, #tpu.memory_space<vmem>> -> memref<100x64xf32, #tpu.memory_space<vmem>>
    %dma_start3A_220 = arith.constant 0 : i32
    %dma_start3A_221 = tpu.memref_slice %arg6[%dma_start3A_214, %dma_start3A_220] : memref<256x100xi32, #tpu.memory_space<vmem>> -> memref<1x100xi32, #tpu.memory_space<vmem>>
    %dma_start3A_222 = tpu.memref_squeeze %dma_start3A_221 : memref<1x100xi32, #tpu.memory_space<vmem>> -> memref<100xi32, #tpu.memory_space<vmem>>
    %dma_start3A_223 = arith.constant 0 : i32
    %dma_start3A_224 = arith.constant 0 : i32
    %dma_start3A_225 = tpu.memref_slice %arg3[%dma_start3A_223, %dma_start3A_224] : memref<2000000x64xf32, #tpu.memory_space<hbm>> -> memref<2000000x64xf32, #tpu.memory_space<hbm>>
    tpu.enqueue_indirect_dma source(%dma_start3A_225 : memref<2000000x64xf32, #tpu.memory_space<hbm>>) target(%dma_start3A_219 : memref<100x64xf32, #tpu.memory_space<vmem>>) offsets(%dma_start3A_222 : memref<100xi32, #tpu.memory_space<vmem>>) semaphore(%arg9 : memref<!tpu.dma_semaphore, #tpu.memory_space<semaphore_mem>>)
    %dma_start3A_226 = arith.constant 255 : i32
    %dma_start3A_227 = arith.constant 1 : i32
    %dma_start3A_228 = arith.constant 100 : i32
    %dma_start3A_229 = arith.constant 0 : i32
    %dma_start3A_230 = tpu.memref_slice %arg8[%dma_start3A_227, %dma_start3A_228, %dma_start3A_229] : memref<2x200x64xf32, #tpu.memory_space<vmem>> -> memref<1x100x64xf32, #tpu.memory_space<vmem>>
    %dma_start3A_231 = tpu.memref_squeeze %dma_start3A_230 : memref<1x100x64xf32, #tpu.memory_space<vmem>> -> memref<100x64xf32, #tpu.memory_space<vmem>>
    %dma_start3A_232 = arith.constant 0 : i32
    %dma_start3A_233 = tpu.memref_slice %arg6[%dma_start3A_226, %dma_start3A_232] : memref<256x100xi32, #tpu.memory_space<vmem>> -> memref<1x100xi32, #tpu.memory_space<vmem>>
    %dma_start3A_234 = tpu.memref_squeeze %dma_start3A_233 : memref<1x100xi32, #tpu.memory_space<vmem>> -> memref<100xi32, #tpu.memory_space<vmem>>
    %dma_start3A_235 = arith.constant 0 : i32
    %dma_start3A_236 = arith.constant 0 : i32
    %dma_start3A_237 = tpu.memref_slice %arg3[%dma_start3A_235, %dma_start3A_236] : memref<2000000x64xf32, #tpu.memory_space<hbm>> -> memref<2000000x64xf32, #tpu.memory_space<hbm>>
    tpu.enqueue_indirect_dma source(%dma_start3A_237 : memref<2000000x64xf32, #tpu.memory_space<hbm>>) target(%dma_start3A_231 : memref<100x64xf32, #tpu.memory_space<vmem>>) offsets(%dma_start3A_234 : memref<100xi32, #tpu.memory_space<vmem>>) semaphore(%arg9 : memref<!tpu.dma_semaphore, #tpu.memory_space<semaphore_mem>>)
    %scan3A_238 = arith.constant 0 : i32
    %scan3A_239 = arith.constant 0 : i32
    %scan3A_240 = arith.constant 100 : i32
    %scan3A_241 = arith.addi %scan3A_239, %scan3A_240 : i32
    %scan3A_242 = arith.constant 1 : i32
    %scan3A_243 = scf.for %scan3A_341 = %scan3A_239 to %scan3A_241 step %scan3A_242 iter_args(%scan3A_342 = %scan3A_238) -> (i32)  : i32 {
      %mul3A_343 = arith.constant 2 : i32
      %mul3A_344 = arith.muli %scan3A_341, %mul3A_343 : i32
      %add3A_345 = arith.constant 0 : i32
      %add3A_346 = arith.addi %mul3A_344, %add3A_345 : i32
      %get3A = arith.constant 0 : i32
      %get3A_347 = arith.index_cast %get3A : i32 to index
      %get3A_348 = arith.index_cast %add3A_346 : i32 to index
      %get3A_349 = arith.constant 0 : index
      %get3A_350 = tpu.vector_load %arg8[%get3A_347, %get3A_348, %get3A_349] {strides = array<i32>} : memref<2x200x64xf32, #tpu.memory_space<vmem>>, vector<16xf32>,
      %get3A_351 = arith.index_cast %add3A_346 : i32 to index
      %get3A_352 = arith.constant 0 : index
      %get3A_353 = tpu.vector_load %arg7[%get3A_351, %get3A_352] {strides = array<i32>} : memref<200x64xf32, #tpu.memory_space<vmem>>, vector<16xf32>,
      %mul3A_354 = arith.constant 8.000000e+00 : f32
      %mul3A_355 = vector.broadcast %mul3A_354 : f32 to vector<16xf32>
      %mul3A_356 = arith.mulf %get3A_350, %mul3A_355 : vector<16xf32>
      %add3A_357 = arith.addf %mul3A_356, %get3A_353 : vector<16xf32>
      %swap3A = arith.constant 0 : i32
      %swap3A_358 = arith.index_cast %swap3A : i32 to index
      %swap3A_359 = arith.index_cast %add3A_346 : i32 to index
      %swap3A_360 = arith.constant 0 : index
      %swap3A_361 = tpu.vector_load %arg8[%swap3A_358, %swap3A_359, %swap3A_360] {strides = array<i32>} : memref<2x200x64xf32, #tpu.memory_space<vmem>>, vector<16xf32>,
      tpu.vector_store %arg8[%swap3A_358, %swap3A_359, %swap3A_360], %add3A_357 {strides = array<i32>} : memref<2x200x64xf32, #tpu.memory_space<vmem>>, vector<16xf32>,
      %get3A_362 = arith.constant 0 : i32
      %get3A_363 = arith.index_cast %get3A_362 : i32 to index
      %get3A_364 = arith.index_cast %add3A_346 : i32 to index
      %get3A_365 = arith.constant 16 : index
      %get3A_366 = tpu.vector_load %arg8[%get3A_363, %get3A_364, %get3A_365] {strides = array<i32>} : memref<2x200x64xf32, #tpu.memory_space<vmem>>, vector<16xf32>,
      %get3A_367 = arith.index_cast %add3A_346 : i32 to index
      %get3A_368 = arith.constant 16 : index
      %get3A_369 = tpu.vector_load %arg7[%get3A_367, %get3A_368] {strides = array<i32>} : memref<200x64xf32, #tpu.memory_space<vmem>>, vector<16xf32>,
      %mul3A_370 = arith.constant 8.000000e+00 : f32
      %mul3A_371 = vector.broadcast %mul3A_370 : f32 to vector<16xf32>
      %mul3A_372 = arith.mulf %get3A_366, %mul3A_371 : vector<16xf32>
      %add3A_373 = arith.addf %mul3A_372, %get3A_369 : vector<16xf32>
      %swap3A_374 = arith.constant 0 : i32
      %swap3A_375 = arith.index_cast %swap3A_374 : i32 to index
      %swap3A_376 = arith.index_cast %add3A_346 : i32 to index
      %swap3A_377 = arith.constant 16 : index
      %swap3A_378 = tpu.vector_load %arg8[%swap3A_375, %swap3A_376, %swap3A_377] {strides = array<i32>} : memref<2x200x64xf32, #tpu.memory_space<vmem>>, vector<16xf32>,
      tpu.vector_store %arg8[%swap3A_375, %swap3A_376, %swap3A_377], %add3A_373 {strides = array<i32>} : memref<2x200x64xf32, #tpu.memory_space<vmem>>, vector<16xf32>,
      %get3A_379 = arith.constant 0 : i32
      %get3A_380 = arith.index_cast %get3A_379 : i32 to index
      %get3A_381 = arith.index_cast %add3A_346 : i32 to index
      %get3A_382 = arith.constant 32 : index
      %get3A_383 = tpu.vector_load %arg8[%get3A_380, %get3A_381, %get3A_382] {strides = array<i32>} : memref<2x200x64xf32, #tpu.memory_space<vmem>>, vector<16xf32>,
      %get3A_384 = arith.index_cast %add3A_346 : i32 to index
      %get3A_385 = arith.constant 32 : index
      %get3A_386 = tpu.vector_load %arg7[%get3A_384, %get3A_385] {strides = array<i32>} : memref<200x64xf32, #tpu.memory_space<vmem>>, vector<16xf32>,
      %mul3A_387 = arith.constant 8.000000e+00 : f32
      %mul3A_388 = vector.broadcast %mul3A_387 : f32 to vector<16xf32>
      %mul3A_389 = arith.mulf %get3A_383, %mul3A_388 : vector<16xf32>
      %add3A_390 = arith.addf %mul3A_389, %get3A_386 : vector<16xf32>
      %swap3A_391 = arith.constant 0 : i32
      %swap3A_392 = arith.index_cast %swap3A_391 : i32 to index
      %swap3A_393 = arith.index_cast %add3A_346 : i32 to index
      %swap3A_394 = arith.constant 32 : index
      %swap3A_395 = tpu.vector_load %arg8[%swap3A_392, %swap3A_393, %swap3A_394] {strides = array<i32>} : memref<2x200x64xf32, #tpu.memory_space<vmem>>, vector<16xf32>,
      tpu.vector_store %arg8[%swap3A_392, %swap3A_393, %swap3A_394], %add3A_390 {strides = array<i32>} : memref<2x200x64xf32, #tpu.memory_space<vmem>>, vector<16xf32>,
      %get3A_396 = arith.constant 0 : i32
      %get3A_397 = arith.index_cast %get3A_396 : i32 to index
      %get3A_398 = arith.index_cast %add3A_346 : i32 to index
      %get3A_399 = arith.constant 48 : index
      %get3A_400 = tpu.vector_load %arg8[%get3A_397, %get3A_398, %get3A_399] {strides = array<i32>} : memref<2x200x64xf32, #tpu.memory_space<vmem>>, vector<16xf32>,
      %get3A_401 = arith.index_cast %add3A_346 : i32 to index
      %get3A_402 = arith.constant 48 : index
      %get3A_403 = tpu.vector_load %arg7[%get3A_401, %get3A_402] {strides = array<i32>} : memref<200x64xf32, #tpu.memory_space<vmem>>, vector<16xf32>,
      %mul3A_404 = arith.constant 8.000000e+00 : f32
      %mul3A_405 = vector.broadcast %mul3A_404 : f32 to vector<16xf32>
      %mul3A_406 = arith.mulf %get3A_400, %mul3A_405 : vector<16xf32>
      %add3A_407 = arith.addf %mul3A_406, %get3A_403 : vector<16xf32>
      %swap3A_408 = arith.constant 0 : i32
      %swap3A_409 = arith.index_cast %swap3A_408 : i32 to index
      %swap3A_410 = arith.index_cast %add3A_346 : i32 to index
      %swap3A_411 = arith.constant 48 : index
      %swap3A_412 = tpu.vector_load %arg8[%swap3A_409, %swap3A_410, %swap3A_411] {strides = array<i32>} : memref<2x200x64xf32, #tpu.memory_space<vmem>>, vector<16xf32>,
      tpu.vector_store %arg8[%swap3A_409, %swap3A_410, %swap3A_411], %add3A_407 {strides = array<i32>} : memref<2x200x64xf32, #tpu.memory_space<vmem>>, vector<16xf32>,
      %mul3A_413 = arith.constant 2 : i32
      %mul3A_414 = arith.muli %scan3A_341, %mul3A_413 : i32
      %add3A_415 = arith.constant 1 : i32
      %add3A_416 = arith.addi %mul3A_414, %add3A_415 : i32
      %get3A_417 = arith.constant 0 : i32
      %get3A_418 = arith.index_cast %get3A_417 : i32 to index
      %get3A_419 = arith.index_cast %add3A_416 : i32 to index
      %get3A_420 = arith.constant 0 : index
      %get3A_421 = tpu.vector_load %arg8[%get3A_418, %get3A_419, %get3A_420] {strides = array<i32>} : memref<2x200x64xf32, #tpu.memory_space<vmem>>, vector<16xf32>,
      %get3A_422 = arith.index_cast %add3A_416 : i32 to index
      %get3A_423 = arith.constant 0 : index
      %get3A_424 = tpu.vector_load %arg7[%get3A_422, %get3A_423] {strides = array<i32>} : memref<200x64xf32, #tpu.memory_space<vmem>>, vector<16xf32>,
      %mul3A_425 = arith.constant 8.000000e+00 : f32
      %mul3A_426 = vector.broadcast %mul3A_425 : f32 to vector<16xf32>
      %mul3A_427 = arith.mulf %get3A_421, %mul3A_426 : vector<16xf32>
      %add3A_428 = arith.addf %mul3A_427, %get3A_424 : vector<16xf32>
      %swap3A_429 = arith.constant 0 : i32
      %swap3A_430 = arith.index_cast %swap3A_429 : i32 to index
      %swap3A_431 = arith.index_cast %add3A_416 : i32 to index
      %swap3A_432 = arith.constant 0 : index
      %swap3A_433 = tpu.vector_load %arg8[%swap3A_430, %swap3A_431, %swap3A_432] {strides = array<i32>} : memref<2x200x64xf32, #tpu.memory_space<vmem>>, vector<16xf32>,
      tpu.vector_store %arg8[%swap3A_430, %swap3A_431, %swap3A_432], %add3A_428 {strides = array<i32>} : memref<2x200x64xf32, #tpu.memory_space<vmem>>, vector<16xf32>,
      %get3A_434 = arith.constant 0 : i32
      %get3A_435 = arith.index_cast %get3A_434 : i32 to index
      %get3A_436 = arith.index_cast %add3A_416 : i32 to index
      %get3A_437 = arith.constant 16 : index
      %get3A_438 = tpu.vector_load %arg8[%get3A_435, %get3A_436, %get3A_437] {strides = array<i32>} : memref<2x200x64xf32, #tpu.memory_space<vmem>>, vector<16xf32>,
      %get3A_439 = arith.index_cast %add3A_416 : i32 to index
      %get3A_440 = arith.constant 16 : index
      %get3A_441 = tpu.vector_load %arg7[%get3A_439, %get3A_440] {strides = array<i32>} : memref<200x64xf32, #tpu.memory_space<vmem>>, vector<16xf32>,
      %mul3A_442 = arith.constant 8.000000e+00 : f32
      %mul3A_443 = vector.broadcast %mul3A_442 : f32 to vector<16xf32>
      %mul3A_444 = arith.mulf %get3A_438, %mul3A_443 : vector<16xf32>
      %add3A_445 = arith.addf %mul3A_444, %get3A_441 : vector<16xf32>
      %swap3A_446 = arith.constant 0 : i32
      %swap3A_447 = arith.index_cast %swap3A_446 : i32 to index
      %swap3A_448 = arith.index_cast %add3A_416 : i32 to index
      %swap3A_449 = arith.constant 16 : index
      %swap3A_450 = tpu.vector_load %arg8[%swap3A_447, %swap3A_448, %swap3A_449] {strides = array<i32>} : memref<2x200x64xf32, #tpu.memory_space<vmem>>, vector<16xf32>,
      tpu.vector_store %arg8[%swap3A_447, %swap3A_448, %swap3A_449], %add3A_445 {strides = array<i32>} : memref<2x200x64xf32, #tpu.memory_space<vmem>>, vector<16xf32>,
      %get3A_451 = arith.constant 0 : i32
      %get3A_452 = arith.index_cast %get3A_451 : i32 to index
      %get3A_453 = arith.index_cast %add3A_416 : i32 to index
      %get3A_454 = arith.constant 32 : index
      %get3A_455 = tpu.vector_load %arg8[%get3A_452, %get3A_453, %get3A_454] {strides = array<i32>} : memref<2x200x64xf32, #tpu.memory_space<vmem>>, vector<16xf32>,
      %get3A_456 = arith.index_cast %add3A_416 : i32 to index
      %get3A_457 = arith.constant 32 : index
      %get3A_458 = tpu.vector_load %arg7[%get3A_456, %get3A_457] {strides = array<i32>} : memref<200x64xf32, #tpu.memory_space<vmem>>, vector<16xf32>,
      %mul3A_459 = arith.constant 8.000000e+00 : f32
      %mul3A_460 = vector.broadcast %mul3A_459 : f32 to vector<16xf32>
      %mul3A_461 = arith.mulf %get3A_455, %mul3A_460 : vector<16xf32>
      %add3A_462 = arith.addf %mul3A_461, %get3A_458 : vector<16xf32>
      %swap3A_463 = arith.constant 0 : i32
      %swap3A_464 = arith.index_cast %swap3A_463 : i32 to index
      %swap3A_465 = arith.index_cast %add3A_416 : i32 to index
      %swap3A_466 = arith.constant 32 : index
      %swap3A_467 = tpu.vector_load %arg8[%swap3A_464, %swap3A_465, %swap3A_466] {strides = array<i32>} : memref<2x200x64xf32, #tpu.memory_space<vmem>>, vector<16xf32>,
      tpu.vector_store %arg8[%swap3A_464, %swap3A_465, %swap3A_466], %add3A_462 {strides = array<i32>} : memref<2x200x64xf32, #tpu.memory_space<vmem>>, vector<16xf32>,
      %get3A_468 = arith.constant 0 : i32
      %get3A_469 = arith.index_cast %get3A_468 : i32 to index
      %get3A_470 = arith.index_cast %add3A_416 : i32 to index
      %get3A_471 = arith.constant 48 : index
      %get3A_472 = tpu.vector_load %arg8[%get3A_469, %get3A_470, %get3A_471] {strides = array<i32>} : memref<2x200x64xf32, #tpu.memory_space<vmem>>, vector<16xf32>,
      %get3A_473 = arith.index_cast %add3A_416 : i32 to index
      %get3A_474 = arith.constant 48 : index
      %get3A_475 = tpu.vector_load %arg7[%get3A_473, %get3A_474] {strides = array<i32>} : memref<200x64xf32, #tpu.memory_space<vmem>>, vector<16xf32>,
      %mul3A_476 = arith.constant 8.000000e+00 : f32
      %mul3A_477 = vector.broadcast %mul3A_476 : f32 to vector<16xf32>
      %mul3A_478 = arith.mulf %get3A_472, %mul3A_477 : vector<16xf32>
      %add3A_479 = arith.addf %mul3A_478, %get3A_475 : vector<16xf32>
      %swap3A_480 = arith.constant 0 : i32
      %swap3A_481 = arith.index_cast %swap3A_480 : i32 to index
      %swap3A_482 = arith.index_cast %add3A_416 : i32 to index
      %swap3A_483 = arith.constant 48 : index
      %swap3A_484 = tpu.vector_load %arg8[%swap3A_481, %swap3A_482, %swap3A_483] {strides = array<i32>} : memref<2x200x64xf32, #tpu.memory_space<vmem>>, vector<16xf32>,
      tpu.vector_store %arg8[%swap3A_481, %swap3A_482, %swap3A_483], %add3A_479 {strides = array<i32>} : memref<2x200x64xf32, #tpu.memory_space<vmem>>, vector<16xf32>,
      %scan3A_485 = arith.constant 0 : i32
      scf.yield %scan3A_485 : i32
    }
    %scan3A_244 = arith.constant 100 : i32
    %add3A_245 = arith.constant 126 : i32
    %add3A_246 = arith.addi %mul3A_2, %add3A_245 : i32
    %dma_start3A_247 = arith.constant 0 : i32
    %dma_start3A_248 = arith.constant 0 : i32
    %dma_start3A_249 = arith.constant 0 : i32
    %dma_start3A_250 = tpu.memref_slice %arg8[%dma_start3A_247, %dma_start3A_248, %dma_start3A_249] : memref<2x200x64xf32, #tpu.memory_space<vmem>> -> memref<1x200x64xf32, #tpu.memory_space<vmem>>
    %dma_start3A_251 = tpu.memref_squeeze %dma_start3A_250 : memref<1x200x64xf32, #tpu.memory_space<vmem>> -> memref<200x64xf32, #tpu.memory_space<vmem>>
    %dma_start3A_252 = arith.constant 0 : i32
    %dma_start3A_253 = arith.constant 0 : i32
    %dma_start3A_254 = tpu.memref_slice %arg5[%add3A_246, %dma_start3A_252, %dma_start3A_253] : memref<4096x200x128xf32, #tpu.memory_space<hbm>> -> memref<1x200x64xf32, #tpu.memory_space<hbm>>
    %dma_start3A_255 = tpu.memref_squeeze %dma_start3A_254 : memref<1x200x64xf32, #tpu.memory_space<hbm>> -> memref<200x64xf32, #tpu.memory_space<hbm>>
    %dma_start3A_256 = arith.constant 0 : i32
    %dma_start3A_257 = arith.constant 0 : i32
    %dma_start3A_258 = tpu.memref_slice %arg5[%add3A_246, %dma_start3A_256, %dma_start3A_257] : memref<4096x200x128xf32, #tpu.memory_space<hbm>> -> memref<1x200x64xf32, #tpu.memory_space<hbm>>
    %dma_start3A_259 = tpu.memref_squeeze %dma_start3A_258 : memref<1x200x64xf32, #tpu.memory_space<hbm>> -> memref<200x64xf32, #tpu.memory_space<hbm>>
    %dma_start3A_260 = arith.constant 0 : i32
    %dma_start3A_261 = arith.constant 0 : i32
    %dma_start3A_262 = tpu.memref_slice %arg8[%dma_start3A_247, %dma_start3A_260, %dma_start3A_261] : memref<2x200x64xf32, #tpu.memory_space<vmem>> -> memref<1x200x64xf32, #tpu.memory_space<vmem>>
    %dma_start3A_263 = tpu.memref_squeeze %dma_start3A_262 : memref<1x200x64xf32, #tpu.memory_space<vmem>> -> memref<200x64xf32, #tpu.memory_space<vmem>>
    tpu.enqueue_dma source(%dma_start3A_263 : memref<200x64xf32, #tpu.memory_space<vmem>>) target(%dma_start3A_259 : memref<200x64xf32, #tpu.memory_space<hbm>>) target_semaphore(%arg10 : memref<!tpu.dma_semaphore, #tpu.memory_space<semaphore_mem>>)
    %dma_wait3A_264 = arith.constant 1 : i32
    %dma_wait3A_265 = arith.constant 0 : i32
    %dma_wait3A_266 = arith.constant 0 : i32
    %dma_wait3A_267 = tpu.memref_slice %arg8[%dma_wait3A_264, %dma_wait3A_265, %dma_wait3A_266] : memref<2x200x64xf32, #tpu.memory_space<vmem>> -> memref<1x200x64xf32, #tpu.memory_space<vmem>>
    %dma_wait3A_268 = tpu.memref_squeeze %dma_wait3A_267 : memref<1x200x64xf32, #tpu.memory_space<vmem>> -> memref<200x64xf32, #tpu.memory_space<vmem>>
    %dma_wait3A_269 = arith.constant 0 : i32
    %dma_wait3A_270 = arith.constant 0 : i32
    %dma_wait3A_271 = tpu.memref_slice %arg3[%dma_wait3A_269, %dma_wait3A_270] : memref<2000000x64xf32, #tpu.memory_space<hbm>> -> memref<200x64xf32, #tpu.memory_space<hbm>>
    %dma_wait3A_272 = arith.constant 0 : i32
    %dma_wait3A_273 = arith.constant 0 : i32
    %dma_wait3A_274 = tpu.memref_slice %arg8[%dma_wait3A_264, %dma_wait3A_272, %dma_wait3A_273] : memref<2x200x64xf32, #tpu.memory_space<vmem>> -> memref<1x200x64xf32, #tpu.memory_space<vmem>>
    %dma_wait3A_275 = tpu.memref_squeeze %dma_wait3A_274 : memref<1x200x64xf32, #tpu.memory_space<vmem>> -> memref<200x64xf32, #tpu.memory_space<vmem>>
    %dma_wait3A_276 = arith.constant 0 : i32
    %dma_wait3A_277 = arith.constant 0 : i32
    %dma_wait3A_278 = tpu.memref_slice %arg3[%dma_wait3A_276, %dma_wait3A_277] : memref<2000000x64xf32, #tpu.memory_space<hbm>> -> memref<200x64xf32, #tpu.memory_space<hbm>>
    tpu.wait_dma2 semaphore(%arg9 : memref<!tpu.dma_semaphore, #tpu.memory_space<semaphore_mem>>) src(%dma_wait3A_278 : memref<200x64xf32, #tpu.memory_space<hbm>>) dst(%dma_wait3A_275 : memref<200x64xf32, #tpu.memory_space<vmem>>)
    %scan3A_279 = arith.constant 0 : i32
    %scan3A_280 = arith.constant 0 : i32
    %scan3A_281 = arith.constant 100 : i32
    %scan3A_282 = arith.addi %scan3A_280, %scan3A_281 : i32
    %scan3A_283 = arith.constant 1 : i32
    %scan3A_284 = scf.for %scan3A_341 = %scan3A_280 to %scan3A_282 step %scan3A_283 iter_args(%scan3A_342 = %scan3A_279) -> (i32)  : i32 {
      %mul3A_343 = arith.constant 2 : i32
      %mul3A_344 = arith.muli %scan3A_341, %mul3A_343 : i32
      %add3A_345 = arith.constant 0 : i32
      %add3A_346 = arith.addi %mul3A_344, %add3A_345 : i32
      %get3A = arith.constant 1 : i32
      %get3A_347 = arith.index_cast %get3A : i32 to index
      %get3A_348 = arith.index_cast %add3A_346 : i32 to index
      %get3A_349 = arith.constant 0 : index
      %get3A_350 = tpu.vector_load %arg8[%get3A_347, %get3A_348, %get3A_349] {strides = array<i32>} : memref<2x200x64xf32, #tpu.memory_space<vmem>>, vector<16xf32>,
      %get3A_351 = arith.index_cast %add3A_346 : i32 to index
      %get3A_352 = arith.constant 0 : index
      %get3A_353 = tpu.vector_load %arg7[%get3A_351, %get3A_352] {strides = array<i32>} : memref<200x64xf32, #tpu.memory_space<vmem>>, vector<16xf32>,
      %mul3A_354 = arith.constant 8.000000e+00 : f32
      %mul3A_355 = vector.broadcast %mul3A_354 : f32 to vector<16xf32>
      %mul3A_356 = arith.mulf %get3A_350, %mul3A_355 : vector<16xf32>
      %add3A_357 = arith.addf %mul3A_356, %get3A_353 : vector<16xf32>
      %swap3A = arith.constant 1 : i32
      %swap3A_358 = arith.index_cast %swap3A : i32 to index
      %swap3A_359 = arith.index_cast %add3A_346 : i32 to index
      %swap3A_360 = arith.constant 0 : index
      %swap3A_361 = tpu.vector_load %arg8[%swap3A_358, %swap3A_359, %swap3A_360] {strides = array<i32>} : memref<2x200x64xf32, #tpu.memory_space<vmem>>, vector<16xf32>,
      tpu.vector_store %arg8[%swap3A_358, %swap3A_359, %swap3A_360], %add3A_357 {strides = array<i32>} : memref<2x200x64xf32, #tpu.memory_space<vmem>>, vector<16xf32>,
      %get3A_362 = arith.constant 1 : i32
      %get3A_363 = arith.index_cast %get3A_362 : i32 to index
      %get3A_364 = arith.index_cast %add3A_346 : i32 to index
      %get3A_365 = arith.constant 16 : index
      %get3A_366 = tpu.vector_load %arg8[%get3A_363, %get3A_364, %get3A_365] {strides = array<i32>} : memref<2x200x64xf32, #tpu.memory_space<vmem>>, vector<16xf32>,
      %get3A_367 = arith.index_cast %add3A_346 : i32 to index
      %get3A_368 = arith.constant 16 : index
      %get3A_369 = tpu.vector_load %arg7[%get3A_367, %get3A_368] {strides = array<i32>} : memref<200x64xf32, #tpu.memory_space<vmem>>, vector<16xf32>,
      %mul3A_370 = arith.constant 8.000000e+00 : f32
      %mul3A_371 = vector.broadcast %mul3A_370 : f32 to vector<16xf32>
      %mul3A_372 = arith.mulf %get3A_366, %mul3A_371 : vector<16xf32>
      %add3A_373 = arith.addf %mul3A_372, %get3A_369 : vector<16xf32>
      %swap3A_374 = arith.constant 1 : i32
      %swap3A_375 = arith.index_cast %swap3A_374 : i32 to index
      %swap3A_376 = arith.index_cast %add3A_346 : i32 to index
      %swap3A_377 = arith.constant 16 : index
      %swap3A_378 = tpu.vector_load %arg8[%swap3A_375, %swap3A_376, %swap3A_377] {strides = array<i32>} : memref<2x200x64xf32, #tpu.memory_space<vmem>>, vector<16xf32>,
      tpu.vector_store %arg8[%swap3A_375, %swap3A_376, %swap3A_377], %add3A_373 {strides = array<i32>} : memref<2x200x64xf32, #tpu.memory_space<vmem>>, vector<16xf32>,
      %get3A_379 = arith.constant 1 : i32
      %get3A_380 = arith.index_cast %get3A_379 : i32 to index
      %get3A_381 = arith.index_cast %add3A_346 : i32 to index
      %get3A_382 = arith.constant 32 : index
      %get3A_383 = tpu.vector_load %arg8[%get3A_380, %get3A_381, %get3A_382] {strides = array<i32>} : memref<2x200x64xf32, #tpu.memory_space<vmem>>, vector<16xf32>,
      %get3A_384 = arith.index_cast %add3A_346 : i32 to index
      %get3A_385 = arith.constant 32 : index
      %get3A_386 = tpu.vector_load %arg7[%get3A_384, %get3A_385] {strides = array<i32>} : memref<200x64xf32, #tpu.memory_space<vmem>>, vector<16xf32>,
      %mul3A_387 = arith.constant 8.000000e+00 : f32
      %mul3A_388 = vector.broadcast %mul3A_387 : f32 to vector<16xf32>
      %mul3A_389 = arith.mulf %get3A_383, %mul3A_388 : vector<16xf32>
      %add3A_390 = arith.addf %mul3A_389, %get3A_386 : vector<16xf32>
      %swap3A_391 = arith.constant 1 : i32
      %swap3A_392 = arith.index_cast %swap3A_391 : i32 to index
      %swap3A_393 = arith.index_cast %add3A_346 : i32 to index
      %swap3A_394 = arith.constant 32 : index
      %swap3A_395 = tpu.vector_load %arg8[%swap3A_392, %swap3A_393, %swap3A_394] {strides = array<i32>} : memref<2x200x64xf32, #tpu.memory_space<vmem>>, vector<16xf32>,
      tpu.vector_store %arg8[%swap3A_392, %swap3A_393, %swap3A_394], %add3A_390 {strides = array<i32>} : memref<2x200x64xf32, #tpu.memory_space<vmem>>, vector<16xf32>,
      %get3A_396 = arith.constant 1 : i32
      %get3A_397 = arith.index_cast %get3A_396 : i32 to index
      %get3A_398 = arith.index_cast %add3A_346 : i32 to index
      %get3A_399 = arith.constant 48 : index
      %get3A_400 = tpu.vector_load %arg8[%get3A_397, %get3A_398, %get3A_399] {strides = array<i32>} : memref<2x200x64xf32, #tpu.memory_space<vmem>>, vector<16xf32>,
      %get3A_401 = arith.index_cast %add3A_346 : i32 to index
      %get3A_402 = arith.constant 48 : index
      %get3A_403 = tpu.vector_load %arg7[%get3A_401, %get3A_402] {strides = array<i32>} : memref<200x64xf32, #tpu.memory_space<vmem>>, vector<16xf32>,
      %mul3A_404 = arith.constant 8.000000e+00 : f32
      %mul3A_405 = vector.broadcast %mul3A_404 : f32 to vector<16xf32>
      %mul3A_406 = arith.mulf %get3A_400, %mul3A_405 : vector<16xf32>
      %add3A_407 = arith.addf %mul3A_406, %get3A_403 : vector<16xf32>
      %swap3A_408 = arith.constant 1 : i32
      %swap3A_409 = arith.index_cast %swap3A_408 : i32 to index
      %swap3A_410 = arith.index_cast %add3A_346 : i32 to index
      %swap3A_411 = arith.constant 48 : index
      %swap3A_412 = tpu.vector_load %arg8[%swap3A_409, %swap3A_410, %swap3A_411] {strides = array<i32>} : memref<2x200x64xf32, #tpu.memory_space<vmem>>, vector<16xf32>,
      tpu.vector_store %arg8[%swap3A_409, %swap3A_410, %swap3A_411], %add3A_407 {strides = array<i32>} : memref<2x200x64xf32, #tpu.memory_space<vmem>>, vector<16xf32>,
      %mul3A_413 = arith.constant 2 : i32
      %mul3A_414 = arith.muli %scan3A_341, %mul3A_413 : i32
      %add3A_415 = arith.constant 1 : i32
      %add3A_416 = arith.addi %mul3A_414, %add3A_415 : i32
      %get3A_417 = arith.constant 1 : i32
      %get3A_418 = arith.index_cast %get3A_417 : i32 to index
      %get3A_419 = arith.index_cast %add3A_416 : i32 to index
      %get3A_420 = arith.constant 0 : index
      %get3A_421 = tpu.vector_load %arg8[%get3A_418, %get3A_419, %get3A_420] {strides = array<i32>} : memref<2x200x64xf32, #tpu.memory_space<vmem>>, vector<16xf32>,
      %get3A_422 = arith.index_cast %add3A_416 : i32 to index
      %get3A_423 = arith.constant 0 : index
      %get3A_424 = tpu.vector_load %arg7[%get3A_422, %get3A_423] {strides = array<i32>} : memref<200x64xf32, #tpu.memory_space<vmem>>, vector<16xf32>,
      %mul3A_425 = arith.constant 8.000000e+00 : f32
      %mul3A_426 = vector.broadcast %mul3A_425 : f32 to vector<16xf32>
      %mul3A_427 = arith.mulf %get3A_421, %mul3A_426 : vector<16xf32>
      %add3A_428 = arith.addf %mul3A_427, %get3A_424 : vector<16xf32>
      %swap3A_429 = arith.constant 1 : i32
      %swap3A_430 = arith.index_cast %swap3A_429 : i32 to index
      %swap3A_431 = arith.index_cast %add3A_416 : i32 to index
      %swap3A_432 = arith.constant 0 : index
      %swap3A_433 = tpu.vector_load %arg8[%swap3A_430, %swap3A_431, %swap3A_432] {strides = array<i32>} : memref<2x200x64xf32, #tpu.memory_space<vmem>>, vector<16xf32>,
      tpu.vector_store %arg8[%swap3A_430, %swap3A_431, %swap3A_432], %add3A_428 {strides = array<i32>} : memref<2x200x64xf32, #tpu.memory_space<vmem>>, vector<16xf32>,
      %get3A_434 = arith.constant 1 : i32
      %get3A_435 = arith.index_cast %get3A_434 : i32 to index
      %get3A_436 = arith.index_cast %add3A_416 : i32 to index
      %get3A_437 = arith.constant 16 : index
      %get3A_438 = tpu.vector_load %arg8[%get3A_435, %get3A_436, %get3A_437] {strides = array<i32>} : memref<2x200x64xf32, #tpu.memory_space<vmem>>, vector<16xf32>,
      %get3A_439 = arith.index_cast %add3A_416 : i32 to index
      %get3A_440 = arith.constant 16 : index
      %get3A_441 = tpu.vector_load %arg7[%get3A_439, %get3A_440] {strides = array<i32>} : memref<200x64xf32, #tpu.memory_space<vmem>>, vector<16xf32>,
      %mul3A_442 = arith.constant 8.000000e+00 : f32
      %mul3A_443 = vector.broadcast %mul3A_442 : f32 to vector<16xf32>
      %mul3A_444 = arith.mulf %get3A_438, %mul3A_443 : vector<16xf32>
      %add3A_445 = arith.addf %mul3A_444, %get3A_441 : vector<16xf32>
      %swap3A_446 = arith.constant 1 : i32
      %swap3A_447 = arith.index_cast %swap3A_446 : i32 to index
      %swap3A_448 = arith.index_cast %add3A_416 : i32 to index
      %swap3A_449 = arith.constant 16 : index
      %swap3A_450 = tpu.vector_load %arg8[%swap3A_447, %swap3A_448, %swap3A_449] {strides = array<i32>} : memref<2x200x64xf32, #tpu.memory_space<vmem>>, vector<16xf32>,
      tpu.vector_store %arg8[%swap3A_447, %swap3A_448, %swap3A_449], %add3A_445 {strides = array<i32>} : memref<2x200x64xf32, #tpu.memory_space<vmem>>, vector<16xf32>,
      %get3A_451 = arith.constant 1 : i32
      %get3A_452 = arith.index_cast %get3A_451 : i32 to index
      %get3A_453 = arith.index_cast %add3A_416 : i32 to index
      %get3A_454 = arith.constant 32 : index
      %get3A_455 = tpu.vector_load %arg8[%get3A_452, %get3A_453, %get3A_454] {strides = array<i32>} : memref<2x200x64xf32, #tpu.memory_space<vmem>>, vector<16xf32>,
      %get3A_456 = arith.index_cast %add3A_416 : i32 to index
      %get3A_457 = arith.constant 32 : index
      %get3A_458 = tpu.vector_load %arg7[%get3A_456, %get3A_457] {strides = array<i32>} : memref<200x64xf32, #tpu.memory_space<vmem>>, vector<16xf32>,
      %mul3A_459 = arith.constant 8.000000e+00 : f32
      %mul3A_460 = vector.broadcast %mul3A_459 : f32 to vector<16xf32>
      %mul3A_461 = arith.mulf %get3A_455, %mul3A_460 : vector<16xf32>
      %add3A_462 = arith.addf %mul3A_461, %get3A_458 : vector<16xf32>
      %swap3A_463 = arith.constant 1 : i32
      %swap3A_464 = arith.index_cast %swap3A_463 : i32 to index
      %swap3A_465 = arith.index_cast %add3A_416 : i32 to index
      %swap3A_466 = arith.constant 32 : index
      %swap3A_467 = tpu.vector_load %arg8[%swap3A_464, %swap3A_465, %swap3A_466] {strides = array<i32>} : memref<2x200x64xf32, #tpu.memory_space<vmem>>, vector<16xf32>,
      tpu.vector_store %arg8[%swap3A_464, %swap3A_465, %swap3A_466], %add3A_462 {strides = array<i32>} : memref<2x200x64xf32, #tpu.memory_space<vmem>>, vector<16xf32>,
      %get3A_468 = arith.constant 1 : i32
      %get3A_469 = arith.index_cast %get3A_468 : i32 to index
      %get3A_470 = arith.index_cast %add3A_416 : i32 to index
      %get3A_471 = arith.constant 48 : index
      %get3A_472 = tpu.vector_load %arg8[%get3A_469, %get3A_470, %get3A_471] {strides = array<i32>} : memref<2x200x64xf32, #tpu.memory_space<vmem>>, vector<16xf32>,
      %get3A_473 = arith.index_cast %add3A_416 : i32 to index
      %get3A_474 = arith.constant 48 : index
      %get3A_475 = tpu.vector_load %arg7[%get3A_473, %get3A_474] {strides = array<i32>} : memref<200x64xf32, #tpu.memory_space<vmem>>, vector<16xf32>,
      %mul3A_476 = arith.constant 8.000000e+00 : f32
      %mul3A_477 = vector.broadcast %mul3A_476 : f32 to vector<16xf32>
      %mul3A_478 = arith.mulf %get3A_472, %mul3A_477 : vector<16xf32>
      %add3A_479 = arith.addf %mul3A_478, %get3A_475 : vector<16xf32>
      %swap3A_480 = arith.constant 1 : i32
      %swap3A_481 = arith.index_cast %swap3A_480 : i32 to index
      %swap3A_482 = arith.index_cast %add3A_416 : i32 to index
      %swap3A_483 = arith.constant 48 : index
      %swap3A_484 = tpu.vector_load %arg8[%swap3A_481, %swap3A_482, %swap3A_483] {strides = array<i32>} : memref<2x200x64xf32, #tpu.memory_space<vmem>>, vector<16xf32>,
      tpu.vector_store %arg8[%swap3A_481, %swap3A_482, %swap3A_483], %add3A_479 {strides = array<i32>} : memref<2x200x64xf32, #tpu.memory_space<vmem>>, vector<16xf32>,
      %scan3A_485 = arith.constant 0 : i32
      scf.yield %scan3A_485 : i32
    }
    %scan3A_285 = arith.constant 100 : i32
    %add3A_286 = arith.constant 127 : i32
    %add3A_287 = arith.addi %mul3A_2, %add3A_286 : i32
    %dma_start3A_288 = arith.constant 1 : i32
    %dma_start3A_289 = arith.constant 0 : i32
    %dma_start3A_290 = arith.constant 0 : i32
    %dma_start3A_291 = tpu.memref_slice %arg8[%dma_start3A_288, %dma_start3A_289, %dma_start3A_290] : memref<2x200x64xf32, #tpu.memory_space<vmem>> -> memref<1x200x64xf32, #tpu.memory_space<vmem>>
    %dma_start3A_292 = tpu.memref_squeeze %dma_start3A_291 : memref<1x200x64xf32, #tpu.memory_space<vmem>> -> memref<200x64xf32, #tpu.memory_space<vmem>>
    %dma_start3A_293 = arith.constant 0 : i32
    %dma_start3A_294 = arith.constant 0 : i32
    %dma_start3A_295 = tpu.memref_slice %arg5[%add3A_287, %dma_start3A_293, %dma_start3A_294] : memref<4096x200x128xf32, #tpu.memory_space<hbm>> -> memref<1x200x64xf32, #tpu.memory_space<hbm>>
    %dma_start3A_296 = tpu.memref_squeeze %dma_start3A_295 : memref<1x200x64xf32, #tpu.memory_space<hbm>> -> memref<200x64xf32, #tpu.memory_space<hbm>>
    %dma_start3A_297 = arith.constant 0 : i32
    %dma_start3A_298 = arith.constant 0 : i32
    %dma_start3A_299 = tpu.memref_slice %arg5[%add3A_287, %dma_start3A_297, %dma_start3A_298] : memref<4096x200x128xf32, #tpu.memory_space<hbm>> -> memref<1x200x64xf32, #tpu.memory_space<hbm>>
    %dma_start3A_300 = tpu.memref_squeeze %dma_start3A_299 : memref<1x200x64xf32, #tpu.memory_space<hbm>> -> memref<200x64xf32, #tpu.memory_space<hbm>>
    %dma_start3A_301 = arith.constant 0 : i32
    %dma_start3A_302 = arith.constant 0 : i32
    %dma_start3A_303 = tpu.memref_slice %arg8[%dma_start3A_288, %dma_start3A_301, %dma_start3A_302] : memref<2x200x64xf32, #tpu.memory_space<vmem>> -> memref<1x200x64xf32, #tpu.memory_space<vmem>>
    %dma_start3A_304 = tpu.memref_squeeze %dma_start3A_303 : memref<1x200x64xf32, #tpu.memory_space<vmem>> -> memref<200x64xf32, #tpu.memory_space<vmem>>
    tpu.enqueue_dma source(%dma_start3A_304 : memref<200x64xf32, #tpu.memory_space<vmem>>) target(%dma_start3A_300 : memref<200x64xf32, #tpu.memory_space<hbm>>) target_semaphore(%arg10 : memref<!tpu.dma_semaphore, #tpu.memory_space<semaphore_mem>>)
    %dma_wait3A_305 = arith.constant 0 : i32
    %dma_wait3A_306 = arith.constant 0 : i32
    %dma_wait3A_307 = arith.constant 0 : i32
    %dma_wait3A_308 = arith.constant 0 : i32
    %dma_wait3A_309 = tpu.memref_slice %arg8[%dma_wait3A_305, %dma_wait3A_307, %dma_wait3A_308] : memref<2x200x64xf32, #tpu.memory_space<vmem>> -> memref<1x200x64xf32, #tpu.memory_space<vmem>>
    %dma_wait3A_310 = tpu.memref_squeeze %dma_wait3A_309 : memref<1x200x64xf32, #tpu.memory_space<vmem>> -> memref<200x64xf32, #tpu.memory_space<vmem>>
    %dma_wait3A_311 = arith.constant 0 : i32
    %dma_wait3A_312 = arith.constant 0 : i32
    %dma_wait3A_313 = tpu.memref_slice %arg5[%dma_wait3A_306, %dma_wait3A_311, %dma_wait3A_312] : memref<4096x200x128xf32, #tpu.memory_space<hbm>> -> memref<1x200x64xf32, #tpu.memory_space<hbm>>
    %dma_wait3A_314 = tpu.memref_squeeze %dma_wait3A_313 : memref<1x200x64xf32, #tpu.memory_space<hbm>> -> memref<200x64xf32, #tpu.memory_space<hbm>>
    %dma_wait3A_315 = arith.constant 0 : i32
    %dma_wait3A_316 = arith.constant 0 : i32
    %dma_wait3A_317 = tpu.memref_slice %arg5[%dma_wait3A_306, %dma_wait3A_315, %dma_wait3A_316] : memref<4096x200x128xf32, #tpu.memory_space<hbm>> -> memref<1x200x64xf32, #tpu.memory_space<hbm>>
    %dma_wait3A_318 = tpu.memref_squeeze %dma_wait3A_317 : memref<1x200x64xf32, #tpu.memory_space<hbm>> -> memref<200x64xf32, #tpu.memory_space<hbm>>
    %dma_wait3A_319 = arith.constant 0 : i32
    %dma_wait3A_320 = arith.constant 0 : i32
    %dma_wait3A_321 = tpu.memref_slice %arg8[%dma_wait3A_305, %dma_wait3A_319, %dma_wait3A_320] : memref<2x200x64xf32, #tpu.memory_space<vmem>> -> memref<1x200x64xf32, #tpu.memory_space<vmem>>
    %dma_wait3A_322 = tpu.memref_squeeze %dma_wait3A_321 : memref<1x200x64xf32, #tpu.memory_space<vmem>> -> memref<200x64xf32, #tpu.memory_space<vmem>>
    tpu.wait_dma2 semaphore(%arg10 : memref<!tpu.dma_semaphore, #tpu.memory_space<semaphore_mem>>) src(%dma_wait3A_322 : memref<200x64xf32, #tpu.memory_space<vmem>>) dst(%dma_wait3A_318 : memref<200x64xf32, #tpu.memory_space<hbm>>)
    %dma_wait3A_323 = arith.constant 1 : i32
    %dma_wait3A_324 = arith.constant 0 : i32
    %dma_wait3A_325 = arith.constant 0 : i32
    %dma_wait3A_326 = arith.constant 0 : i32
    %dma_wait3A_327 = tpu.memref_slice %arg8[%dma_wait3A_323, %dma_wait3A_325, %dma_wait3A_326] : memref<2x200x64xf32, #tpu.memory_space<vmem>> -> memref<1x200x64xf32, #tpu.memory_space<vmem>>
    %dma_wait3A_328 = tpu.memref_squeeze %dma_wait3A_327 : memref<1x200x64xf32, #tpu.memory_space<vmem>> -> memref<200x64xf32, #tpu.memory_space<vmem>>
    %dma_wait3A_329 = arith.constant 0 : i32
    %dma_wait3A_330 = arith.constant 0 : i32
    %dma_wait3A_331 = tpu.memref_slice %arg5[%dma_wait3A_324, %dma_wait3A_329, %dma_wait3A_330] : memref<4096x200x128xf32, #tpu.memory_space<hbm>> -> memref<1x200x64xf32, #tpu.memory_space<hbm>>
    %dma_wait3A_332 = tpu.memref_squeeze %dma_wait3A_331 : memref<1x200x64xf32, #tpu.memory_space<hbm>> -> memref<200x64xf32, #tpu.memory_space<hbm>>
    %dma_wait3A_333 = arith.constant 0 : i32
    %dma_wait3A_334 = arith.constant 0 : i32
    %dma_wait3A_335 = tpu.memref_slice %arg5[%dma_wait3A_324, %dma_wait3A_333, %dma_wait3A_334] : memref<4096x200x128xf32, #tpu.memory_space<hbm>> -> memref<1x200x64xf32, #tpu.memory_space<hbm>>
    %dma_wait3A_336 = tpu.memref_squeeze %dma_wait3A_335 : memref<1x200x64xf32, #tpu.memory_space<hbm>> -> memref<200x64xf32, #tpu.memory_space<hbm>>
    %dma_wait3A_337 = arith.constant 0 : i32
    %dma_wait3A_338 = arith.constant 0 : i32
    %dma_wait3A_339 = tpu.memref_slice %arg8[%dma_wait3A_323, %dma_wait3A_337, %dma_wait3A_338] : memref<2x200x64xf32, #tpu.memory_space<vmem>> -> memref<1x200x64xf32, #tpu.memory_space<vmem>>
    %dma_wait3A_340 = tpu.memref_squeeze %dma_wait3A_339 : memref<1x200x64xf32, #tpu.memory_space<vmem>> -> memref<200x64xf32, #tpu.memory_space<vmem>>
    tpu.wait_dma2 semaphore(%arg10 : memref<!tpu.dma_semaphore, #tpu.memory_space<semaphore_mem>>) src(%dma_wait3A_340 : memref<200x64xf32, #tpu.memory_space<vmem>>) dst(%dma_wait3A_336 : memref<200x64xf32, #tpu.memory_space<hbm>>)
    return
  }
}

module attributes {stable_mosaic.version = 14 : i64} {
  func.func @body(%arg0: i32, %arg1: memref<64x16384xf32, #tpu.memory_space<vmem>>, %arg2: memref<16384x128xf32, #tpu.memory_space<vmem>>) attributes {dimension_semantics = [#tpu.dimension_semantics<arbitrary>], iteration_bounds = array<i64: 62>, scalar_prefetch = 0 : i64, scratch_operands = 0 : i64, tpu.core_type = #tpu.core_type<tc>, window_params = [{transform_indices = @transform_0, window_bounds = array<i64: 64, 16384>}, {transform_indices = @transform_1, window_bounds = array<i64: 16384, 128>}]} {
    %iota3A = tpu.iota {dimensions = array<i32: 0>} : vector<64x64xi32>
    %iota3A_0 = tpu.iota {dimensions = array<i32: 1>} : vector<64x64xi32>
    %add3A = arith.constant 0 : i32
    %add3A_1 = vector.broadcast %add3A : i32 to vector<64x64xi32>
    %add3A_2 = arith.addi %iota3A, %add3A_1 : vector<64x64xi32>
    %eq3A = arith.cmpi eq, %add3A_2, %iota3A_0 : vector<64x64xi32>
    %convert_element_type3A = arith.extui %eq3A : vector<64x64xi1> to vector<64x64xi32>
    %convert_element_type3A_3 = arith.sitofp %convert_element_type3A : vector<64x64xi32> to vector<64x64xf32>
    %get3A = arith.constant 0 : index
    %get3A_4 = arith.constant 0 : index
    %get3A_5 = vector.load %arg1[%get3A, %get3A_4] : memref<64x16384xf32, #tpu.memory_space<vmem>>, vector<64x16384xf32>
    %dot_general3A = arith.constant dense<0.000000e+00> : vector<16384x64xf32>
    %dot_general3A_6 = tpu.matmul %get3A_5, %convert_element_type3A_3, %dot_general3A {dimension_numbers = #tpu.dot_dimension_numbers<[0], [0], [1], [1], [0, 1, 1, 1], [], []>, transpose_lhs_hint = false} : vector<64x16384xf32>, vector<64x64xf32>, vector<16384x64xf32> -> vector<16384x64xf32>
    %concatenate3A = tpu.concatenate %dot_general3A_6, %dot_general3A_6 in 1 : vector<16384x64xf32>, vector<16384x64xf32> -> vector<16384x128xf32>
    %swap3A = arith.constant 0 : index
    %swap3A_7 = arith.constant 0 : index
    %swap3A_8 = vector.load %arg2[%swap3A, %swap3A_7] : memref<16384x128xf32, #tpu.memory_space<vmem>>, vector<16384x128xf32>
    tpu.vector_store %arg2[%swap3A, %swap3A_7], %concatenate3A {strides = array<i32>} : memref<16384x128xf32, #tpu.memory_space<vmem>>, vector<16384x128xf32>,
    return
  }
  func.func @transform_0(%arg0: i32) -> (i32, i32) {
    %c0_i32 = arith.constant 0 : i32
    %c0_i32_0 = arith.constant 0 : i32
    return %c0_i32, %arg0 : i32, i32
  }
  func.func @transform_1(%arg0: i32) -> (i32, i32) {
    %c0_i32 = arith.constant 0 : i32
    %c0_i32_0 = arith.constant 0 : i32
    return %arg0, %c0_i32 : i32, i32
  }
}

</mosaic_0001>

<sc_bundles>
// kernel: kernel.4.cloned.1.call-start
scs
__scs_entry_jumppad:
0x0: {  	(pc) =	sbr.rel $0x88, $3  }
0x1: {  	(tag) =	ssettag $0x0;
	lr =	simm.s32 $0x1  }
0x2: {  	[smem:$0x3F9E] =	sst lr;
	_ =	strace $0xD0000000  }
0x3: {  	_ = 	snop  }
0x4: {  	_ = 	snop  }
0x5: {  	_ = 	snop  }
0x6: {  	_ = 	snop  }
0x7: {  	_ = 	snop  }
__scs_overlays_trampoline_lowered:
0x8: {  	[smem:$0x3FAD] =	sst s0  }
0x9: {  	[smem:$0x3FAE] =	sst s1  }
0xa: {  	[smem:$0x3FAF] =	sst s2  }
0xb: {  	[smem:$0x3FB0] =	sst s3  }
0xc: {  	[smem:$0x3FB1] =	sst s4  }
0xd: {  	[smem:$0x3FB2] =	sst s5  }
0xe: {  	[smem:$0x3FB3] =	sst s6  }
0xf: {  	[smem:$0x3FB4] =	sst s7  }
0x10: {  	[smem:$0x3FB5] =	sst s8  }
0x11: {  	[smem:$0x3FB6] =	sst s9;
	s0 =	simm.s32 @!p0 $0x0  }
0x12: {  	s1 =	sld [smem:$0x3F9C];
	s0 =	simm.s32 @p0 $0x1  }
0x13: {  	[smem:$0x3FB7] =	sst s0;
	s0 =	simm.s32 @!p1 $0x0  }
0x14: {  	s2 =	sld [smem:$0x3F9B];
	s0 =	simm.s32 @p1 $0x1  }
0x15: {  	[smem:$0x3FB8] =	sst s0;
	s0 =	simm.s32 @!p2 $0x0  }
0x16: {  	s3 =	sld [smem:$0x3FDB];
	s0 =	simm.s32 @p2 $0x1  }
0x17: {  	s4 =	simm.s32 $0x1BF5;
	[smem:$0x3FBA] =	sst s0  }
0x18: {  	s0 =	sld [smem:$0x3F9D];
	_ =	swait.ge [sflag:s4], $0x0  }
0x19: {  	s7 =	sld [smem:$0x3F9E]  }
0x1a: {  	s8 =	sadd.s32 $0xFFFFE003, lr  }
0x1b: {  	s9 =	sadd.s32 $0xFFFFFEF7, lr;
	s5 =	simm.s32 $0xFFFFFFFF;
	p2 =	slt.u32 s8, $0xFFFFF086  }
0x1c: {  	p1 =	slt.u32 s9, $0xF7A;
	s5 =	simm.s32 @!p2 $0x0  }
0x1d: {  	s5 =	simm.s32 @p1 $0x1;
	p0 =	seq.s32 s7, s2  }
0x1e: {  	s7 =	smul.u32 @!p0 $0xF7A, s2;
	p2 =	seq.s32 @!p0 s5, $0x0  }
0x1f: {  	s9 =	smul.u32 $0xF7A, s1;
	s8 =	simm.s32 @!p0 $0x1BF5;
	p2 =	por !p2, p0  }
0x20: {  	[sflag:s8] =	ssyncset.s32 @!p0 $0xFFFFF086;
	s6 =	sadd.s32 @!p0 s3, s7;
	s7 =	simm.s32 @!p0 $0x108  }
0x21: {  	s3 =	sadd.s32 s3, s9;
	s6 =	sadd.s32 @!p0 $0x88, s6;
	s7 =	simm.s32 @p2 $0x1082  }
0x22: {  	[simem:s7], [sflag:s8] =	dma.local @!p0 [hbm:s6], $0xF7A  }
0x23: {  	s9 =	sor.u32 $0xD0000000, s2;
	s6 =	simm.s32 $0x108;
	_ =	swait.ge @!p0 [sflag:s8], $0x0  }
0x24: {  	s3 =	sadd.s32 $0x88, s3;
	s6 =	simm.s32 @!p1 $0x1082;
	[sflag:s4] =	ssyncset.s32 $0xFFFFF086  }
0x25: {  	[simem:s6], [sflag:s4] =	dma.local [hbm:s3], $0xF7A  }
0x26: {  	[smem:$0x3F9E] =	sst s1;
	(tag) =	ssettag s2;
	_ =	strace s9  }
0x27: {  	s1 =	sld [smem:$0x3FAE]  }
0x28: {  	s2 =	sld [smem:$0x3FAF]  }
0x29: {  	s4 =	sld [smem:$0x3FB1]  }
0x2a: {  	p0 =	seq.s32 s5, $0x0;
	s5 =	sld [smem:$0x3FB2]  }
0x2b: {  	s6 =	sld [smem:$0x3FB3]  }
0x2c: {  	s7 =	sld [smem:$0x3FB4]  }
0x2d: {  	s3 =	simm.s32 $0x108;
	s8 =	sld [smem:$0x3FB5]  }
0x2e: {  	s3 =	simm.s32 @!p0 $0x1082;
	s9 =	sld [smem:$0x3FB6]  }
0x2f: {  	lr =	sadd.s32 s0, s3;
	s0 =	sld [smem:$0x3FAD]  }
0x30: {  	s3 =	sld [smem:$0x3FB0]  }
0x31: {  	[smem:$0x3FB9] =	sst s10  }
0x32: {  	s10 =	sld [smem:$0x3FB7];
	_ =	sdelay $0x3  }
0x33: {  	p0 =	seq.s32 s10, $0x1;
	s10 =	sld [smem:$0x3FB9];
	_ =	sdelay $0x3  }
0x34: {  	[smem:$0x3FB9] =	sst s10  }
0x35: {  	s10 =	sld [smem:$0x3FB8];
	_ =	sdelay $0x3  }
0x36: {  	p1 =	seq.s32 s10, $0x1;
	s10 =	sld [smem:$0x3FB9];
	_ =	sdelay $0x3  }
0x37: {  	[smem:$0x3FB9] =	sst s10  }
0x38: {  	s10 =	sld [smem:$0x3FBA]  }
0x39: {  	_ = 	snop;
	(pc) =	sbr.ind lr, $3  }
0x3a: {  	_ = 	snop  }
0x3b: {  	_ = 	snop  }
0x3c: {  	p2 =	seq.s32 s10, $0x1;
	s10 =	sld [smem:$0x3FB9]  }
0x3d: {  	_ =	shalt  }
0x3e: {  	_ =	shalt  }
0x3f: {  	_ =	shalt  }
0x40: {  	_ =	shalt  }
0x41: {  	_ =	shalt  }
0x42: {  	_ =	shalt  }
0x43: {  	_ =	shalt  }
0x44: {  	_ =	shalt  }
0x45: {  	_ =	shalt  }
0x46: {  	_ =	shalt  }
0x47: {  	_ =	shalt  }
0x48: {  	_ =	shalt  }
0x49: {  	_ =	shalt  }
0x4a: {  	_ =	shalt  }
0x4b: {  	_ =	shalt  }
0x4c: {  	_ =	shalt  }
0x4d: {  	_ =	shalt  }
0x4e: {  	_ =	shalt  }
0x4f: {  	_ =	shalt  }
0x50: {  	_ =	shalt  }
0x51: {  	_ =	shalt  }
0x52: {  	_ =	shalt  }
0x53: {  	_ =	shalt  }
0x54: {  	_ =	shalt  }
0x55: {  	_ =	shalt  }
0x56: {  	_ =	shalt  }
0x57: {  	_ =	shalt  }
0x58: {  	_ =	shalt  }
0x59: {  	_ =	shalt  }
0x5a: {  	_ =	shalt  }
0x5b: {  	_ =	shalt  }
0x5c: {  	_ =	shalt  }
0x5d: {  	_ =	shalt  }
0x5e: {  	_ =	shalt  }
0x5f: {  	_ =	shalt  }
0x60: {  	_ =	shalt  }
0x61: {  	_ =	shalt  }
0x62: {  	_ =	shalt  }
0x63: {  	_ =	shalt  }
0x64: {  	_ =	shalt  }
0x65: {  	_ =	shalt  }
0x66: {  	_ =	shalt  }
0x67: {  	_ =	shalt  }
0x68: {  	_ =	shalt  }
0x69: {  	_ =	shalt  }
0x6a: {  	_ =	shalt  }
0x6b: {  	_ =	shalt  }
0x6c: {  	_ =	shalt  }
0x6d: {  	_ =	shalt  }
0x6e: {  	_ =	shalt  }
0x6f: {  	_ =	shalt  }
0x70: {  	_ =	shalt  }
0x71: {  	_ =	shalt  }
0x72: {  	_ =	shalt  }
0x73: {  	_ =	shalt  }
0x74: {  	_ =	shalt  }
0x75: {  	_ =	shalt  }
0x76: {  	_ =	shalt  }
0x77: {  	_ =	shalt  }
0x78: {  	_ =	shalt  }
0x79: {  	_ =	shalt  }
0x7a: {  	_ =	shalt  }
0x7b: {  	_ =	shalt  }
0x7c: {  	_ =	shalt  }
0x7d: {  	_ =	shalt  }
0x7e: {  	_ =	shalt  }
0x7f: {  	_ =	shalt  }
0x80: {  	_ =	shalt  }
0x81: {  	_ =	shalt  }
0x82: {  	_ =	shalt  }
0x83: {  	_ =	shalt  }
0x84: {  	_ =	shalt  }
0x85: {  	_ =	shalt  }
0x86: {  	_ =	shalt  }
0x87: {  	_ =	shalt  }
.Lfunc_end0:
.L_simem_size_0:
called_computation.1_lowered:
.L_overlay_start_0:
0x88: {  	s2 =	sld [smem:$0x3FD9]  }
0x89: {  	s3 =	sld [smem:$0x3FFE];
	_ =	sdelay $0x1  }
0x8a: {  	s1 =	srdreg.scid  }
0x8b: {  	s0 =	sand.u32 $0x1, s1  }
0x8c: {  	s17 =	sshll.u32 s0, $0xA;
	s2 =	sadd.s32 s3, s2  }
0x8d: {  	s2 =	sadd.s32 s2, s17  }
0x8e: {  	[smem:$0x3FC5] =	sst s2  }
0x8f: {  	_ = 	snop  }
0x90: {  	s2 =	sld [smem:$0x3FD0];
	(tm) =	ssettm $0x1  }
0x91: {  	s18 =	sld [smem:$0x3FFB];
	_ =	sdelay $0x3  }
0x92: {  	_ =	strace s18  }
0x93: {  	s3 =	sld [smem:$0x3FFC];
	_ =	sdelay $0x3  }
0x94: {  	_ =	strace s3  }
0x95: {  	s3 =	sld [smem:$0x3FFD];
	_ =	sdelay $0x3  }
0x96: {  	_ =	strace s3  }
0x97: {  	_ =	strace $0x8FFFFFFF  }
0x98: {  	s19 =	sld [smem:$0x3FDB];
	_ =	sdelay $0x1  }
0x99: {  	s4 =	simm.s32 $_scs_section_size  }
0x9a: {  	s5 =	simm.s32 $_size__tile_overlayer_lowered;
	s6 =	simm.s32 $_tile_overlayer_lowered  }
0x9b: {  	s22 =	simm.s32 $0x1BFF;
	s21 =	sshll.u32 s6, $0x1;
	s3 =	sadd.s32 s4, s19  }
0x9c: {  	s7 =	simm.s32 $0x0;
	s20 =	sshll.u32 s5, $0x1;
	s5 =	sadd.s32 s21, s3  }
0x9d: {  	[timem:s7], [sflag:s22] =	dma.local [hbm:s5], s20  }
0x9e: {  	_ =	swait.ge [sflag:s22], s20  }
0x9f: {  	s4 =	ssub.s32 $0x0, s20;
	[sflag:s22] =	ssyncset.done $0x0  }
0xa0: {  	[sflag:s22] =	ssyncadd.s32 s4;
	_ =	sdelay $0x1  }
0xa1: {  	s23 =	simm.s32 $0x1B8B  }
0xa2: {  	_ =	swait.ge [sflag:s23], $0x1  }
0xa3: {  	[sflag:s23] =	ssyncset.done $0x0  }
0xa4: {  	s25 =	simm.s32 $0x1B8E;
	s24 =	sld [smem:$0x3FFE];
	[sflag:s23] =	ssyncadd.s32 $0xFFFFFFFF  }
0xa5: {  	s26 =	simm.s32 $execute0_lowered;
	[smem:$0x3FD2] =	sst s25  }
0xa6: {  	s5 =	sshll.u32 s26, $0x1;
	_ =	strace $0x80000046;
	[dreg:$0x1] =	wrdreg $0xFFFFFFFF  }
0xa7: {  	s28 =	simm.s32 $_size_execute0_lowered;
	s3 =	sadd.s32 s3, s5;
	[dreg:$0x0] =	wrdreg $0x0  }
0xa8: {  	s5 =	sshll.u32 s28, $0x1;
	[dreg:$0x2] =	wrdreg s3  }
0xa9: {  	[dreg:$0x3] =	wrdreg s5  }
0xaa: {  	[dreg:$0x4] =	wrdreg $0xC0  }
0xab: {  	_ =	task [dreg:s7], $0x5FFFF  }
0xac: {  	[dreg:$0x1] =	wrdreg $0xFFFFFFFF  }
0xad: {  	[dreg:$0x0] =	wrdreg $0x60  }
0xae: {  	[dreg:$0x2] =	wrdreg s2  }
0xaf: {  	[dreg:$0x3] =	wrdreg s24  }
0xb0: {  	[dreg:$0x4] =	wrdreg $0x9  }
0xb1: {  	_ =	task.clear_ibuf [dreg:s7], $0x5FFFF;
	_ =	strace $0x90000046  }
0xb2: {  	s29 =	simm.s32 $0x9;
	_ =	strace $0x80000048  }
0xb3: {  	_ =	swait.ge [sflag:s29], $0x1  }
0xb4: {  	[sflag:s29] =	ssyncadd.s32 $0xFFFFFFFF  }
0xb5: {  	_ =	strace $0x90000048  }
0xb6: {  	_ =	sfence  }
0xb7: {  	s30 =	sld [smem:$0x0];
	_ =	sdelay $0x2  }
0xb8: {  	s31 =	sshll.u32 s1, $0xD;
	s1 =	sshrl.u32 s1, $0x2  }
0xb9: {  	s3 =	sand.u32 $0x4000, s31;
	s1 =	sadd.s32 s1, s30  }
0xba: {  	s0 =	sor.u32 s3, s0;
	s1 =	sshll.u32 s1, $0x11  }
0xbb: {  	s0 =	sor.u32 s1, s0  }
0xbc: {  	s0 =	sadd.s32 $0x8F2B, s0  }
0xbd: {  	[sflag:s0] =	ssyncadd.remote.s32 $0x1  }
0xbe: {  	_ =	sfence.sel $0xFFFF  }
0xbf: {  	[dreg:$0x0] =	wrdreg $0xFFFFFFFF;
	(pc) =	sbr.abs _section_cstart, $3  }
0xc0: {  	[dreg:$0x1] =	wrdreg $0xFFFFFFFF  }
0xc1: {  	_ =	task.clear_ibuf [dreg:s7], $0x2FFFF;
	_ =	strace $0x9FFFFFFF  }
0xc2: {  	(tm) =	ssettm $0x7FFFFFFF  }
0xc3: {  	_ =	shalt  }
tec
execute0_lowered:
.L_overlay_start_1:
0x0: {  	(tag) =	ssettag $0x1  }
0x1: {  	s0 =	rddreg [dreg:$0x0]  }
0x2: {  	s1 =	rddreg [dreg:$0x1];
	s2 =	simm.s32 $0x0  }
0x3: {  	s3 =	srdreg.scid;
	s4 =	stileid.u32;
	s14 =	simm.s32 $0x3  }
0x4: {  	s15 =	simm.s32 $0x64;
	s16 =	simm.s32 $0x9A00;
	s18 =	simm.s32 $0xB300  }
0x5: {  	s19 =	simm.s32 $0x1;
	s21 =	simm.s32 $0xCC00;
	s23 =	simm.s32 $0xE500  }
0x6: {  	s24 =	simm.s32 $0x40;
	s25 =	simm.s32 $0x80;
	s26 =	simm.s32 $0x2  }
0x7: {  	s29 =	simm.s32 $0x208;
	s30 =	simm.s32 $0x6730;
	s31 =	simm.s32 $0x6798  }
0x8: {  	[smem:$0x7FF] =	sst s2;
	s5 =	sand.u32 $0x1, s3;
	s4 =	sshll.u32 s4, $0x1  }
0x9: {  	s3 =	sadd.s32 $0x1000, s1;
	_ =	strace $0x80000047;
	s6 =	sor.u32 s5, s4  }
0xa: {  	s4 =	sadd.s32 $0x800, s1;
	s7 =	ssub.s32 $0x2, s5;
	s8 =	smul.u32 $0x320000, s6  }
0xb: {  	s5 =	sadd.s32 $0xF43400, s1;
	s28 =	sshrl.u32 s7, $0x1;
	s9 =	smul.u32 $0x64000, s6  }
0xc: {  	s10 =	smul.u32 $0xD00, s6;
	s6 =	sshll.u32 s6, $0x7;
	s1 =	ssub.s32 s7, s28  }
0xd: {  	s8 =	sshrl.u32 s8, $0x3;
	s7 =	sadd.s32 s5, s9;
	s12 =	smax.u32 s1, $0x1  }
0xe: {  	s11 =	sadd.s32 s5, s8;
	s8 =	sadd.s32 s0, s10;
	s9 =	sadd.s32 $0xC80, s7  }
0xf: {  	s0 =	simm.s32 $0x0;
	s10 =	sadd.s32 $0x62700, s11;
	s11 =	sadd.s32 $0x63380, s11  }
.LBB2_1:
0x10: {  	s1 =	simm.s32 $0x6800  }
0x11: {  	[tilespmem:s1], [sflag:$0x3] =	stream.linear.gather [hbm4b:s4+s2], $0x3200, $0x38;
	[tilespmem:$0xFE00] =	vst v63  }
0x12: {  	_ =	swait.ge [sflag:s14], $0x3200  }
0x13: {  	[sflag:s14] =	ssyncset.done $0x0  }
0x14: {  	[sflag:s14] =	ssyncadd.s32 $0xFFFFCE00  }
0x15: {  	[tilespmem:s2], [sflag:$0x3] =	stream.linear.gather [hbm4b:s8+s2], $0x6800, $0x38;
	[tilespmem:$0xFE00] =	vst v63  }
0x16: {  	_ =	swait.ge [sflag:s14], $0x6800  }
0x17: {  	[sflag:s14] =	ssyncset.done $0x0  }
0x18: {  	[sflag:s14] =	ssyncadd.s32 $0xFFFF9800  }
0x19: {  	[tilespmem:s16], [sflag:$0x1] =	stream.indirect.gather [hbm4b:s3+s15], $0x40, s2, s15, $0xb8;
	[tilespmem:$0xFE00] =	vst v63  }
0x1a: {  	s20 =	simm.s32 $0x68  }
0x1b: {  	[tilespmem:s18], [sflag:$0x1] =	stream.indirect.gather [hbm4b:s3+s15], $0x40, s20, s15, $0xb8;
	[tilespmem:$0xFE00] =	vst v63  }
0x1c: {  	_ =	swait.ge [sflag:s19], $0x3200  }
0x1d: {  	[sflag:s19] =	ssyncset.done $0x0  }
0x1e: {  	s22 =	simm.s32 $0xD0;
	[sflag:s19] =	ssyncadd.s32 $0xFFFFCE00  }
0x1f: {  	[tilespmem:s21], [sflag:$0x1] =	stream.indirect.gather [hbm4b:s3+s15], $0x40, s22, s15, $0xb8;
	[tilespmem:$0xFE00] =	vst v63  }
0x20: {  	s28 =	simm.s32 $0x138;
	s1 =	simm.s32 $0x70  }
0x21: {  	[tilespmem:s23], [sflag:$0x1] =	stream.indirect.gather [hbm4b:s3+s15], $0x40, s28, s15, $0xb8;
	[tilespmem:$0xFE00] =	vst v63  }
0x22: {  	v5 =	vld [tilespmem:s1+$0x6790]  }
0x23: {  	v4 =	vld [tilespmem:s1+$0x67A0]  }
0x24: {  	v3 =	vld [tilespmem:s1+$0x67B0]  }
0x25: {  	v2 =	vld [tilespmem:s1+$0x67C0]  }
0x26: {  	v1 =	vld [tilespmem:s1+$0x67D0]  }
0x27: {  	v0 =	vld [tilespmem:s1+$0x67E0]  }
0x28: {  	v6 =	vld [tilespmem:s1+$0x9990]  }
0x29: {  	v11 =	vld [tilespmem:s1+$0x99A0]  }
0x2a: {  	v10 =	vld [tilespmem:s1+$0x99B0]  }
0x2b: {  	v9 =	vld [tilespmem:s1+$0x99C0]  }
0x2c: {  	v8 =	vld [tilespmem:s1+$0x99D0]  }
0x2d: {  	v7 =	vld [tilespmem:s1+$0x99E0];
	v12 =	vmul.f32 $8.000000000e+00, v6  }
0x2e: {  	s13 =	simm.s32 $0x3C0;
	v11 =	vmul.f32 $8.000000000e+00, v11;
	v6 =	vld [tilespmem:s1+$0x99F0]  }
.LBB2_2:
0x2f: {  	p0 =	sne.s32 s13, $0xC7C0;
	v5 =	vadd.f32 v5, v12;
	v10 =	vmul.f32 $8.000000000e+00, v10;
	v12 =	vld [tilespmem:s1+$0x9A00]  }
0x30: {  	v4 =	vadd.f32 v4, v11;
	v9 =	vmul.f32 $8.000000000e+00, v9;
	v11 =	vld [tilespmem:s1+$0x67F0]  }
0x31: {  	s17 =	sshra.s32 s13, $0x2;
	[tilespmem:s1+$0x9990] =	vst v5;
	v3 =	vadd.f32 v3, v10;
	v8 =	vmul.f32 $8.000000000e+00, v8;
	v10 =	vld [tilespmem:s1+$0x6800]  }
0x32: {  	v5 =	vld [tilespmem:s17+$0x6790];
	[tilespmem:s1+$0x99A0] =	vst v4;
	v2 =	vadd.f32 v2, v9;
	v7 =	vmul.f32 $8.000000000e+00, v7  }
0x33: {  	v4 =	vld [tilespmem:s17+$0x67A0];
	[tilespmem:s1+$0x99B0] =	vst v3;
	v1 =	vadd.f32 v1, v8;
	v6 =	vmul.f32 $8.000000000e+00, v6  }
0x34: {  	v3 =	vld [tilespmem:s17+$0x67B0];
	[tilespmem:s1+$0x99C0] =	vst v2;
	v0 =	vadd.f32 v0, v7;
	v7 =	vmul.f32 $8.000000000e+00, v12  }
0x35: {  	v2 =	vld [tilespmem:s17+$0x67C0];
	[tilespmem:s1+$0x99D0] =	vst v1;
	v6 =	vadd.f32 v11, v6  }
0x36: {  	v1 =	vld [tilespmem:s17+$0x67D0];
	[tilespmem:s1+$0x99E0] =	vst v0;
	v7 =	vadd.f32 v10, v7  }
0x37: {  	v0 =	vld [tilespmem:s17+$0x67E0];
	[tilespmem:s1+$0x99F0] =	vst v6  }
0x38: {  	v6 =	vld [tilespmem:s17+$0x9990];
	[tilespmem:s1+$0x9A00] =	vst v7;
	s1 =	smov.u32 s17  }
0x39: {  	v11 =	vld [tilespmem:s1+$0x99A0]  }
.Ltmp0:
0x3a: {  	v10 =	vld [tilespmem:s1+$0x99B0];
	(pc) =	sbr.rel @p0 .LBB2_2-.Ltmp0, $4  }
0x3b: {  	v9 =	vld [tilespmem:s1+$0x99C0]  }
0x3c: {  	v8 =	vld [tilespmem:s1+$0x99D0]  }
0x3d: {  	v12 =	vmul.f32 $8.000000000e+00, v6;
	v7 =	vld [tilespmem:s1+$0x99E0]  }
0x3e: {  	s13 =	sadd.s32 $0x200, s13;
	v11 =	vmul.f32 $8.000000000e+00, v11;
	v6 =	vld [tilespmem:s1+$0x99F0]  }
0x3f: {  	v5 =	vadd.f32 v5, v12;
	v12 =	vld [tilespmem:s1+$0x9A00];
	v10 =	vmul.f32 $8.000000000e+00, v10  }
0x40: {  	v13 =	vld [tilespmem:s1+$0x67F0];
	v4 =	vadd.f32 v4, v11;
	v9 =	vmul.f32 $8.000000000e+00, v9  }
0x41: {  	[tilespmem:s1+$0x9990] =	vst v5;
	v3 =	vadd.f32 v3, v10;
	v5 =	vmul.f32 $8.000000000e+00, v8;
	v8 =	vld [tilespmem:s1+$0x6800]  }
0x42: {  	[tilespmem:s1+$0x99A0] =	vst v4;
	v2 =	vadd.f32 v2, v9;
	v4 =	vmul.f32 $8.000000000e+00, v7  }
0x43: {  	[tilespmem:s1+$0x99B0] =	vst v3;
	v1 =	vadd.f32 v1, v5;
	v3 =	vmul.f32 $8.000000000e+00, v6  }
0x44: {  	[tilespmem:s1+$0x99C0] =	vst v2;
	v0 =	vadd.f32 v0, v4;
	v2 =	vmul.f32 $8.000000000e+00, v12  }
0x45: {  	[tilespmem:s1+$0x99D0] =	vst v1;
	v1 =	vadd.f32 v13, v3  }
0x46: {  	[tilespmem:s1+$0x99E0] =	vst v0;
	v0 =	vadd.f32 v8, v2  }
0x47: {  	[tilespmem:s1+$0x99F0] =	vst v1  }
0x48: {  	[tilespmem:s1+$0x9A00] =	vst v0  }
0x49: {  	[hbm4b:s7+s24] =	stream.strided.scatter [tilespmem:s16], [sflag:$0x2], $0x3200, s25, s24, $0x38;
	[tilespmem:$0xFE00] =	vst v63  }
0x4a: {  	_ =	swait.ge [sflag:s19], $0x3200  }
0x4b: {  	[sflag:s19] =	ssyncset.done $0x0  }
0x4c: {  	[sflag:s19] =	ssyncadd.s32 $0xFFFFCE00  }
0x4d: {  	_ =	swait.ge [sflag:s26], $0x3200  }
0x4e: {  	[sflag:s26] =	ssyncset.done $0x0  }
0x4f: {  	s28 =	simm.s32 $0x1A0;
	[sflag:s26] =	ssyncadd.s32 $0xFFFFCE00  }
0x50: {  	[tilespmem:s16], [sflag:$0x1] =	stream.indirect.gather [hbm4b:s3+s15], $0x40, s28, s15, $0xb8;
	[tilespmem:$0xFE00] =	vst v63  }
0x51: {  	s1 =	simm.s32 $0x0  }
0x52: {  	[tilespmem:s18], [sflag:$0x1] =	stream.indirect.gather [hbm4b:s3+s15], $0x40, s29, s15, $0xb8;
	[tilespmem:$0xFE00] =	vst v63  }
0x53: {  	v5 =	vld [tilespmem:s1+$0x6800]  }
0x54: {  	v4 =	vld [tilespmem:s1+$0x6810]  }
0x55: {  	v3 =	vld [tilespmem:s1+$0x6820]  }
0x56: {  	v2 =	vld [tilespmem:s1+$0x6830]  }
0x57: {  	v1 =	vld [tilespmem:s1+$0x6840]  }
0x58: {  	v0 =	vld [tilespmem:s1+$0x6850]  }
0x59: {  	v6 =	vld [tilespmem:s1+$0xCC00]  }
0x5a: {  	v11 =	vld [tilespmem:s1+$0xCC10]  }
0x5b: {  	v10 =	vld [tilespmem:s1+$0xCC20]  }
0x5c: {  	v9 =	vld [tilespmem:s1+$0xCC30]  }
0x5d: {  	v8 =	vld [tilespmem:s1+$0xCC40]  }
0x5e: {  	v7 =	vld [tilespmem:s1+$0xCC50];
	v12 =	vmul.f32 $8.000000000e+00, v6  }
0x5f: {  	s13 =	simm.s32 $0x200;
	v11 =	vmul.f32 $8.000000000e+00, v11;
	v6 =	vld [tilespmem:s1+$0xCC60]  }
.LBB2_4:
0x60: {  	p0 =	sne.s32 s13, $0xC600;
	v5 =	vadd.f32 v5, v12;
	v10 =	vmul.f32 $8.000000000e+00, v10;
	v12 =	vld [tilespmem:s1+$0xCC70]  }
0x61: {  	v4 =	vadd.f32 v4, v11;
	v9 =	vmul.f32 $8.000000000e+00, v9;
	v11 =	vld [tilespmem:s1+$0x6860]  }
0x62: {  	s17 =	sshra.s32 s13, $0x2;
	[tilespmem:s1+$0xCC00] =	vst v5;
	v3 =	vadd.f32 v3, v10;
	v8 =	vmul.f32 $8.000000000e+00, v8;
	v10 =	vld [tilespmem:s1+$0x6870]  }
0x63: {  	v5 =	vld [tilespmem:s17+$0x6800];
	[tilespmem:s1+$0xCC10] =	vst v4;
	v2 =	vadd.f32 v2, v9;
	v7 =	vmul.f32 $8.000000000e+00, v7  }
0x64: {  	v4 =	vld [tilespmem:s17+$0x6810];
	[tilespmem:s1+$0xCC20] =	vst v3;
	v1 =	vadd.f32 v1, v8;
	v6 =	vmul.f32 $8.000000000e+00, v6  }
0x65: {  	v3 =	vld [tilespmem:s17+$0x6820];
	[tilespmem:s1+$0xCC30] =	vst v2;
	v0 =	vadd.f32 v0, v7;
	v7 =	vmul.f32 $8.000000000e+00, v12  }
0x66: {  	v2 =	vld [tilespmem:s17+$0x6830];
	[tilespmem:s1+$0xCC40] =	vst v1;
	v6 =	vadd.f32 v11, v6  }
0x67: {  	v1 =	vld [tilespmem:s17+$0x6840];
	[tilespmem:s1+$0xCC50] =	vst v0;
	v7 =	vadd.f32 v10, v7  }
0x68: {  	v0 =	vld [tilespmem:s17+$0x6850];
	[tilespmem:s1+$0xCC60] =	vst v6  }
0x69: {  	v6 =	vld [tilespmem:s17+$0xCC00];
	[tilespmem:s1+$0xCC70] =	vst v7;
	s1 =	smov.u32 s17  }
0x6a: {  	v11 =	vld [tilespmem:s1+$0xCC10]  }
.Ltmp1:
0x6b: {  	v10 =	vld [tilespmem:s1+$0xCC20];
	(pc) =	sbr.rel @p0 .LBB2_4-.Ltmp1, $4  }
0x6c: {  	v9 =	vld [tilespmem:s1+$0xCC30]  }
0x6d: {  	v8 =	vld [tilespmem:s1+$0xCC40]  }
0x6e: {  	v12 =	vmul.f32 $8.000000000e+00, v6;
	v7 =	vld [tilespmem:s1+$0xCC50]  }
0x6f: {  	s13 =	sadd.s32 $0x200, s13;
	v11 =	vmul.f32 $8.000000000e+00, v11;
	v6 =	vld [tilespmem:s1+$0xCC60]  }
0x70: {  	v5 =	vadd.f32 v5, v12;
	v56 =	vld [tilespmem:s1+$0xCC70];
	v10 =	vmul.f32 $8.000000000e+00, v10  }
0x71: {  	v13 =	vld [tilespmem:s1+$0x6860];
	v4 =	vadd.f32 v4, v11;
	v9 =	vmul.f32 $8.000000000e+00, v9  }
0x72: {  	v58 =	vld [tilespmem:s1+$0x6870];
	[tilespmem:s1+$0xCC00] =	vst v5;
	v3 =	vadd.f32 v3, v10;
	v57 =	vmul.f32 $8.000000000e+00, v8  }
0x73: {  	[tilespmem:s1+$0xCC10] =	vst v4;
	v2 =	vadd.f32 v2, v9;
	v59 =	vmul.f32 $8.000000000e+00, v7  }
0x74: {  	[tilespmem:s1+$0xCC20] =	vst v3;
	v1 =	vadd.f32 v1, v57;
	v60 =	vmul.f32 $8.000000000e+00, v6  }
0x75: {  	[tilespmem:s1+$0xCC30] =	vst v2;
	v0 =	vadd.f32 v0, v59;
	v61 =	vmul.f32 $8.000000000e+00, v56  }
0x76: {  	[tilespmem:s1+$0xCC40] =	vst v1;
	v62 =	vadd.f32 v13, v60  }
0x77: {  	[tilespmem:s1+$0xCC50] =	vst v0;
	v63 =	vadd.f32 v58, v61  }
0x78: {  	[tilespmem:s1+$0xCC60] =	vst v62  }
0x79: {  	[tilespmem:s1+$0xCC70] =	vst v63;
	s1 =	simm.s32 $0x1  }
0x7a: {  	[hbm4b:s9+s24] =	stream.strided.scatter [tilespmem:s21], [sflag:$0x2], $0x3200, s25, s24, $0x38;
	[tilespmem:$0xFE00] =	vst v63  }
.LBB2_6:
0x7b: {  	_ =	swait.ge [sflag:s19], $0x3200  }
0x7c: {  	[sflag:s19] =	ssyncset.done $0x0  }
0x7d: {  	s13 =	sshllo.u32 s1, $0x1;
	[sflag:s19] =	ssyncadd.s32 $0xFFFFCE00  }
0x7e: {  	s17 =	smul.u32 $0x340, s13;
	_ =	swait.ge [sflag:s26], $0x3200  }
0x7f: {  	[sflag:s26] =	ssyncset.done $0x0  }
0x80: {  	s17 =	sshra.s32 s17, $0x2;
	[sflag:s26] =	ssyncadd.s32 $0xFFFFCE00  }
0x81: {  	[tilespmem:s21], [sflag:$0x1] =	stream.indirect.gather [hbm4b:s3+s15], $0x40, s17, s15, $0xb8;
	[tilespmem:$0xFE00] =	vst v63  }
0x82: {  	s17 =	sadd.s32 $0x68, s17  }
0x83: {  	[tilespmem:s23], [sflag:$0x1] =	stream.indirect.gather [hbm4b:s3+s15], $0x40, s17, s15, $0xb8;
	[tilespmem:$0xFE00] =	vst v63  }
0x84: {  	s17 =	simm.s32 $0x70  }
0x85: {  	v5 =	vld [tilespmem:s17+$0x6790]  }
0x86: {  	v4 =	vld [tilespmem:s17+$0x67A0]  }
0x87: {  	v3 =	vld [tilespmem:s17+$0x67B0]  }
0x88: {  	v2 =	vld [tilespmem:s17+$0x67C0]  }
0x89: {  	v1 =	vld [tilespmem:s17+$0x67D0]  }
0x8a: {  	v0 =	vld [tilespmem:s17+$0x67E0]  }
0x8b: {  	v6 =	vld [tilespmem:s17+$0x9990]  }
0x8c: {  	v11 =	vld [tilespmem:s17+$0x99A0]  }
0x8d: {  	v10 =	vld [tilespmem:s17+$0x99B0]  }
0x8e: {  	v9 =	vld [tilespmem:s17+$0x99C0]  }
0x8f: {  	v8 =	vld [tilespmem:s17+$0x99D0]  }
0x90: {  	v7 =	vld [tilespmem:s17+$0x99E0];
	v12 =	vmul.f32 $8.000000000e+00, v6  }
0x91: {  	s20 =	sshll.u32 s1, $0x1;
	s22 =	simm.s32 $0x3C0;
	v11 =	vmul.f32 $8.000000000e+00, v11;
	v6 =	vld [tilespmem:s17+$0x99F0]  }
.LBB2_7:
0x92: {  	p0 =	sne.s32 s22, $0xC7C0;
	v5 =	vadd.f32 v5, v12;
	v10 =	vmul.f32 $8.000000000e+00, v10;
	v12 =	vld [tilespmem:s17+$0x9A00]  }
0x93: {  	v4 =	vadd.f32 v4, v11;
	v9 =	vmul.f32 $8.000000000e+00, v9;
	v11 =	vld [tilespmem:s17+$0x67F0]  }
0x94: {  	s28 =	sshra.s32 s22, $0x2;
	[tilespmem:s17+$0x9990] =	vst v5;
	v3 =	vadd.f32 v3, v10;
	v8 =	vmul.f32 $8.000000000e+00, v8;
	v10 =	vld [tilespmem:s17+$0x6800]  }
0x95: {  	v5 =	vld [tilespmem:s28+$0x6790];
	[tilespmem:s17+$0x99A0] =	vst v4;
	v2 =	vadd.f32 v2, v9;
	v7 =	vmul.f32 $8.000000000e+00, v7  }
0x96: {  	v4 =	vld [tilespmem:s28+$0x67A0];
	[tilespmem:s17+$0x99B0] =	vst v3;
	v1 =	vadd.f32 v1, v8;
	v6 =	vmul.f32 $8.000000000e+00, v6  }
0x97: {  	v3 =	vld [tilespmem:s28+$0x67B0];
	[tilespmem:s17+$0x99C0] =	vst v2;
	v0 =	vadd.f32 v0, v7;
	v7 =	vmul.f32 $8.000000000e+00, v12  }
0x98: {  	v2 =	vld [tilespmem:s28+$0x67C0];
	[tilespmem:s17+$0x99D0] =	vst v1;
	v6 =	vadd.f32 v11, v6  }
0x99: {  	v1 =	vld [tilespmem:s28+$0x67D0];
	[tilespmem:s17+$0x99E0] =	vst v0;
	v7 =	vadd.f32 v10, v7  }
0x9a: {  	v0 =	vld [tilespmem:s28+$0x67E0];
	[tilespmem:s17+$0x99F0] =	vst v6  }
0x9b: {  	v6 =	vld [tilespmem:s28+$0x9990];
	[tilespmem:s17+$0x9A00] =	vst v7;
	s17 =	smov.u32 s28  }
0x9c: {  	v11 =	vld [tilespmem:s17+$0x99A0]  }
.Ltmp2:
0x9d: {  	v10 =	vld [tilespmem:s17+$0x99B0];
	(pc) =	sbr.rel @p0 .LBB2_7-.Ltmp2, $4  }
0x9e: {  	v9 =	vld [tilespmem:s17+$0x99C0]  }
0x9f: {  	v8 =	vld [tilespmem:s17+$0x99D0]  }
0xa0: {  	v12 =	vmul.f32 $8.000000000e+00, v6;
	v7 =	vld [tilespmem:s17+$0x99E0]  }
0xa1: {  	s22 =	sadd.s32 $0x200, s22;
	v11 =	vmul.f32 $8.000000000e+00, v11;
	v6 =	vld [tilespmem:s17+$0x99F0]  }
0xa2: {  	v5 =	vadd.f32 v5, v12;
	v12 =	vld [tilespmem:s17+$0x9A00];
	v10 =	vmul.f32 $8.000000000e+00, v10  }
0xa3: {  	v13 =	vld [tilespmem:s17+$0x67F0];
	v4 =	vadd.f32 v4, v11;
	v9 =	vmul.f32 $8.000000000e+00, v9  }
0xa4: {  	[tilespmem:s17+$0x9990] =	vst v5;
	v3 =	vadd.f32 v3, v10;
	v5 =	vmul.f32 $8.000000000e+00, v8;
	v8 =	vld [tilespmem:s17+$0x6800]  }
0xa5: {  	[tilespmem:s17+$0x99A0] =	vst v4;
	v2 =	vadd.f32 v2, v9;
	v4 =	vmul.f32 $8.000000000e+00, v7  }
0xa6: {  	[tilespmem:s17+$0x99B0] =	vst v3;
	v1 =	vadd.f32 v1, v5;
	v3 =	vmul.f32 $8.000000000e+00, v6  }
0xa7: {  	[tilespmem:s17+$0x99C0] =	vst v2;
	v0 =	vadd.f32 v0, v4;
	v2 =	vmul.f32 $8.000000000e+00, v12  }
0xa8: {  	s20 =	sadd.s32 s6, s20;
	[tilespmem:s17+$0x99D0] =	vst v1;
	v1 =	vadd.f32 v13, v3  }
0xa9: {  	s20 =	smul.u32 $0xC80, s20;
	[tilespmem:s17+$0x99E0] =	vst v0;
	v0 =	vadd.f32 v8, v2  }
0xaa: {  	[tilespmem:s17+$0x99F0] =	vst v1  }
0xab: {  	s20 =	sadd.s32 s5, s20;
	[tilespmem:s17+$0x9A00] =	vst v0  }
0xac: {  	[hbm4b:s20+s24] =	stream.strided.scatter [tilespmem:s16], [sflag:$0x2], $0x3200, s25, s24, $0x38;
	[tilespmem:$0xFE00] =	vst v63  }
0xad: {  	_ =	swait.ge [sflag:s19], $0x3200  }
0xae: {  	[sflag:s19] =	ssyncset.done $0x0  }
0xaf: {  	s22 =	smul.u32 $0x680, s1;
	[sflag:s19] =	ssyncadd.s32 $0xFFFFCE00  }
0xb0: {  	_ =	swait.ge [sflag:s26], $0x3200  }
0xb1: {  	s17 =	sshra.s32 s22, $0x2;
	[sflag:s26] =	ssyncset.done $0x0  }
0xb2: {  	s28 =	sadd.s32 $0x1A0, s17;
	[sflag:s26] =	ssyncadd.s32 $0xFFFFCE00  }
0xb3: {  	[tilespmem:s16], [sflag:$0x1] =	stream.indirect.gather [hbm4b:s3+s15], $0x40, s28, s15, $0xb8;
	[tilespmem:$0xFE00] =	vst v63  }
0xb4: {  	s17 =	sadd.s32 $0x208, s17  }
0xb5: {  	[tilespmem:s18], [sflag:$0x1] =	stream.indirect.gather [hbm4b:s3+s15], $0x40, s17, s15, $0xb8;
	[tilespmem:$0xFE00] =	vst v63  }
0xb6: {  	s17 =	simm.s32 $0x0  }
0xb7: {  	v5 =	vld [tilespmem:s17+$0x6800]  }
0xb8: {  	v4 =	vld [tilespmem:s17+$0x6810]  }
0xb9: {  	v3 =	vld [tilespmem:s17+$0x6820]  }
0xba: {  	v2 =	vld [tilespmem:s17+$0x6830]  }
0xbb: {  	v1 =	vld [tilespmem:s17+$0x6840]  }
0xbc: {  	v0 =	vld [tilespmem:s17+$0x6850]  }
0xbd: {  	v6 =	vld [tilespmem:s17+$0xCC00]  }
0xbe: {  	v11 =	vld [tilespmem:s17+$0xCC10]  }
0xbf: {  	v10 =	vld [tilespmem:s17+$0xCC20]  }
0xc0: {  	v9 =	vld [tilespmem:s17+$0xCC30]  }
0xc1: {  	v8 =	vld [tilespmem:s17+$0xCC40]  }
0xc2: {  	v7 =	vld [tilespmem:s17+$0xCC50];
	v12 =	vmul.f32 $8.000000000e+00, v6  }
0xc3: {  	s20 =	simm.s32 $0x200;
	v11 =	vmul.f32 $8.000000000e+00, v11;
	v6 =	vld [tilespmem:s17+$0xCC60]  }
.LBB2_9:
0xc4: {  	p0 =	sne.s32 s20, $0xC600;
	v5 =	vadd.f32 v5, v12;
	v10 =	vmul.f32 $8.000000000e+00, v10;
	v12 =	vld [tilespmem:s17+$0xCC70]  }
0xc5: {  	v4 =	vadd.f32 v4, v11;
	v9 =	vmul.f32 $8.000000000e+00, v9;
	v11 =	vld [tilespmem:s17+$0x6860]  }
0xc6: {  	s22 =	sshra.s32 s20, $0x2;
	[tilespmem:s17+$0xCC00] =	vst v5;
	v3 =	vadd.f32 v3, v10;
	v8 =	vmul.f32 $8.000000000e+00, v8;
	v10 =	vld [tilespmem:s17+$0x6870]  }
0xc7: {  	v5 =	vld [tilespmem:s22+$0x6800];
	[tilespmem:s17+$0xCC10] =	vst v4;
	v2 =	vadd.f32 v2, v9;
	v7 =	vmul.f32 $8.000000000e+00, v7  }
0xc8: {  	v4 =	vld [tilespmem:s22+$0x6810];
	[tilespmem:s17+$0xCC20] =	vst v3;
	v1 =	vadd.f32 v1, v8;
	v6 =	vmul.f32 $8.000000000e+00, v6  }
0xc9: {  	v3 =	vld [tilespmem:s22+$0x6820];
	[tilespmem:s17+$0xCC30] =	vst v2;
	v0 =	vadd.f32 v0, v7;
	v7 =	vmul.f32 $8.000000000e+00, v12  }
0xca: {  	v2 =	vld [tilespmem:s22+$0x6830];
	[tilespmem:s17+$0xCC40] =	vst v1;
	v6 =	vadd.f32 v11, v6  }
0xcb: {  	v1 =	vld [tilespmem:s22+$0x6840];
	[tilespmem:s17+$0xCC50] =	vst v0;
	v7 =	vadd.f32 v10, v7  }
0xcc: {  	v0 =	vld [tilespmem:s22+$0x6850];
	[tilespmem:s17+$0xCC60] =	vst v6  }
0xcd: {  	v6 =	vld [tilespmem:s22+$0xCC00];
	[tilespmem:s17+$0xCC70] =	vst v7;
	s17 =	smov.u32 s22  }
0xce: {  	v11 =	vld [tilespmem:s17+$0xCC10]  }
.Ltmp3:
0xcf: {  	v10 =	vld [tilespmem:s17+$0xCC20];
	(pc) =	sbr.rel @p0 .LBB2_9-.Ltmp3, $4  }
0xd0: {  	v9 =	vld [tilespmem:s17+$0xCC30]  }
0xd1: {  	v8 =	vld [tilespmem:s17+$0xCC40]  }
0xd2: {  	v12 =	vmul.f32 $8.000000000e+00, v6;
	v7 =	vld [tilespmem:s17+$0xCC50]  }
0xd3: {  	s20 =	sadd.s32 $0x200, s20;
	v11 =	vmul.f32 $8.000000000e+00, v11;
	v6 =	vld [tilespmem:s17+$0xCC60]  }
0xd4: {  	v5 =	vadd.f32 v5, v12;
	v56 =	vld [tilespmem:s17+$0xCC70];
	v10 =	vmul.f32 $8.000000000e+00, v10  }
0xd5: {  	v13 =	vld [tilespmem:s17+$0x6860];
	v4 =	vadd.f32 v4, v11;
	v9 =	vmul.f32 $8.000000000e+00, v9  }
0xd6: {  	v58 =	vld [tilespmem:s17+$0x6870];
	[tilespmem:s17+$0xCC00] =	vst v5;
	v3 =	vadd.f32 v3, v10;
	v57 =	vmul.f32 $8.000000000e+00, v8  }
0xd7: {  	[tilespmem:s17+$0xCC10] =	vst v4;
	v2 =	vadd.f32 v2, v9;
	v59 =	vmul.f32 $8.000000000e+00, v7  }
0xd8: {  	s1 =	sadd.s32 $0x1, s1;
	[tilespmem:s17+$0xCC20] =	vst v3;
	v1 =	vadd.f32 v1, v57;
	v60 =	vmul.f32 $8.000000000e+00, v6  }
0xd9: {  	p0 =	sne.s32 s1, $0x3F;
	[tilespmem:s17+$0xCC30] =	vst v2;
	v0 =	vadd.f32 v0, v59;
	v61 =	vmul.f32 $8.000000000e+00, v56  }
.Ltmp4:
0xda: {  	s13 =	sadd.s32 s6, s13;
	[tilespmem:s17+$0xCC40] =	vst v1;
	v62 =	vadd.f32 v13, v60;
	(pc) =	sbr.rel @p0 .LBB2_6-.Ltmp4, $4  }
0xdb: {  	s13 =	smul.u32 $0xC80, s13;
	[tilespmem:s17+$0xCC50] =	vst v0;
	v63 =	vadd.f32 v58, v61  }
0xdc: {  	[tilespmem:s17+$0xCC60] =	vst v62  }
0xdd: {  	s13 =	sadd.s32 s5, s13;
	[tilespmem:s17+$0xCC70] =	vst v63  }
0xde: {  	[hbm4b:s13+s24] =	stream.strided.scatter [tilespmem:s21], [sflag:$0x2], $0x3200, s25, s24, $0x38;
	[tilespmem:$0xFE00] =	vst v63  }
0xdf: {  	_ =	swait.ge [sflag:s19], $0x3200  }
0xe0: {  	[sflag:s19] =	ssyncset.done $0x0  }
0xe1: {  	[sflag:s19] =	ssyncadd.s32 $0xFFFFCE00  }
0xe2: {  	_ =	swait.ge [sflag:s26], $0x3200  }
0xe3: {  	[sflag:s26] =	ssyncset.done $0x0  }
0xe4: {  	[sflag:s26] =	ssyncadd.s32 $0xFFFFCE00  }
0xe5: {  	[tilespmem:s21], [sflag:$0x1] =	stream.indirect.gather [hbm4b:s3+s15], $0x40, s30, s15, $0xb8;
	[tilespmem:$0xFE00] =	vst v63  }
0xe6: {  	s1 =	simm.s32 $0x70  }
0xe7: {  	[tilespmem:s23], [sflag:$0x1] =	stream.indirect.gather [hbm4b:s3+s15], $0x40, s31, s15, $0xb8;
	[tilespmem:$0xFE00] =	vst v63  }
0xe8: {  	v5 =	vld [tilespmem:s1+$0x6790]  }
0xe9: {  	v4 =	vld [tilespmem:s1+$0x67A0]  }
0xea: {  	v3 =	vld [tilespmem:s1+$0x67B0]  }
0xeb: {  	v2 =	vld [tilespmem:s1+$0x67C0]  }
0xec: {  	v1 =	vld [tilespmem:s1+$0x67D0]  }
0xed: {  	v0 =	vld [tilespmem:s1+$0x67E0]  }
0xee: {  	v6 =	vld [tilespmem:s1+$0x9990]  }
0xef: {  	v11 =	vld [tilespmem:s1+$0x99A0]  }
0xf0: {  	v10 =	vld [tilespmem:s1+$0x99B0]  }
0xf1: {  	v9 =	vld [tilespmem:s1+$0x99C0]  }
0xf2: {  	v8 =	vld [tilespmem:s1+$0x99D0]  }
0xf3: {  	v7 =	vld [tilespmem:s1+$0x99E0];
	v12 =	vmul.f32 $8.000000000e+00, v6  }
0xf4: {  	s13 =	simm.s32 $0x3C0;
	v11 =	vmul.f32 $8.000000000e+00, v11;
	v6 =	vld [tilespmem:s1+$0x99F0]  }
.LBB2_12:
0xf5: {  	p0 =	sne.s32 s13, $0xC7C0;
	v5 =	vadd.f32 v5, v12;
	v10 =	vmul.f32 $8.000000000e+00, v10;
	v12 =	vld [tilespmem:s1+$0x9A00]  }
0xf6: {  	v4 =	vadd.f32 v4, v11;
	v9 =	vmul.f32 $8.000000000e+00, v9;
	v11 =	vld [tilespmem:s1+$0x67F0]  }
0xf7: {  	s17 =	sshra.s32 s13, $0x2;
	[tilespmem:s1+$0x9990] =	vst v5;
	v3 =	vadd.f32 v3, v10;
	v8 =	vmul.f32 $8.000000000e+00, v8;
	v10 =	vld [tilespmem:s1+$0x6800]  }
0xf8: {  	v5 =	vld [tilespmem:s17+$0x6790];
	[tilespmem:s1+$0x99A0] =	vst v4;
	v2 =	vadd.f32 v2, v9;
	v7 =	vmul.f32 $8.000000000e+00, v7  }
0xf9: {  	v4 =	vld [tilespmem:s17+$0x67A0];
	[tilespmem:s1+$0x99B0] =	vst v3;
	v1 =	vadd.f32 v1, v8;
	v6 =	vmul.f32 $8.000000000e+00, v6  }
0xfa: {  	v3 =	vld [tilespmem:s17+$0x67B0];
	[tilespmem:s1+$0x99C0] =	vst v2;
	v0 =	vadd.f32 v0, v7;
	v7 =	vmul.f32 $8.000000000e+00, v12  }
0xfb: {  	v2 =	vld [tilespmem:s17+$0x67C0];
	[tilespmem:s1+$0x99D0] =	vst v1;
	v6 =	vadd.f32 v11, v6  }
0xfc: {  	v1 =	vld [tilespmem:s17+$0x67D0];
	[tilespmem:s1+$0x99E0] =	vst v0;
	v7 =	vadd.f32 v10, v7  }
0xfd: {  	v0 =	vld [tilespmem:s17+$0x67E0];
	[tilespmem:s1+$0x99F0] =	vst v6  }
0xfe: {  	v6 =	vld [tilespmem:s17+$0x9990];
	[tilespmem:s1+$0x9A00] =	vst v7;
	s1 =	smov.u32 s17  }
0xff: {  	v11 =	vld [tilespmem:s1+$0x99A0]  }
.Ltmp5:
0x100: {  	v10 =	vld [tilespmem:s1+$0x99B0];
	(pc) =	sbr.rel @p0 .LBB2_12-.Ltmp5, $4  }
0x101: {  	v9 =	vld [tilespmem:s1+$0x99C0]  }
0x102: {  	v8 =	vld [tilespmem:s1+$0x99D0]  }
0x103: {  	v12 =	vmul.f32 $8.000000000e+00, v6;
	v7 =	vld [tilespmem:s1+$0x99E0]  }
0x104: {  	s13 =	sadd.s32 $0x200, s13;
	v11 =	vmul.f32 $8.000000000e+00, v11;
	v6 =	vld [tilespmem:s1+$0x99F0]  }
0x105: {  	v5 =	vadd.f32 v5, v12;
	v12 =	vld [tilespmem:s1+$0x9A00];
	v10 =	vmul.f32 $8.000000000e+00, v10  }
0x106: {  	v13 =	vld [tilespmem:s1+$0x67F0];
	v4 =	vadd.f32 v4, v11;
	v9 =	vmul.f32 $8.000000000e+00, v9  }
0x107: {  	[tilespmem:s1+$0x9990] =	vst v5;
	v3 =	vadd.f32 v3, v10;
	v5 =	vmul.f32 $8.000000000e+00, v8;
	v8 =	vld [tilespmem:s1+$0x6800]  }
0x108: {  	[tilespmem:s1+$0x99A0] =	vst v4;
	v2 =	vadd.f32 v2, v9;
	v4 =	vmul.f32 $8.000000000e+00, v7  }
0x109: {  	[tilespmem:s1+$0x99B0] =	vst v3;
	v1 =	vadd.f32 v1, v5;
	v3 =	vmul.f32 $8.000000000e+00, v6  }
0x10a: {  	[tilespmem:s1+$0x99C0] =	vst v2;
	v0 =	vadd.f32 v0, v4;
	v2 =	vmul.f32 $8.000000000e+00, v12  }
0x10b: {  	[tilespmem:s1+$0x99D0] =	vst v1;
	v1 =	vadd.f32 v13, v3  }
0x10c: {  	[tilespmem:s1+$0x99E0] =	vst v0;
	v0 =	vadd.f32 v8, v2  }
0x10d: {  	[tilespmem:s1+$0x99F0] =	vst v1  }
0x10e: {  	[tilespmem:s1+$0x9A00] =	vst v0  }
0x10f: {  	[hbm4b:s10+s24] =	stream.strided.scatter [tilespmem:s16], [sflag:$0x2], $0x3200, s25, s24, $0x38;
	[tilespmem:$0xFE00] =	vst v63  }
0x110: {  	_ =	swait.ge [sflag:s19], $0x3200  }
0x111: {  	[sflag:s19] =	ssyncset.done $0x0  }
0x112: {  	s1 =	simm.s32 $0x0;
	[sflag:s19] =	ssyncadd.s32 $0xFFFFCE00  }
0x113: {  	v5 =	vld [tilespmem:s1+$0x6800]  }
0x114: {  	v4 =	vld [tilespmem:s1+$0x6810]  }
0x115: {  	v3 =	vld [tilespmem:s1+$0x6820]  }
0x116: {  	v2 =	vld [tilespmem:s1+$0x6830]  }
0x117: {  	v1 =	vld [tilespmem:s1+$0x6840]  }
0x118: {  	v0 =	vld [tilespmem:s1+$0x6850]  }
0x119: {  	v6 =	vld [tilespmem:s1+$0xCC00]  }
0x11a: {  	v11 =	vld [tilespmem:s1+$0xCC10]  }
0x11b: {  	v10 =	vld [tilespmem:s1+$0xCC20]  }
0x11c: {  	v9 =	vld [tilespmem:s1+$0xCC30]  }
0x11d: {  	v8 =	vld [tilespmem:s1+$0xCC40]  }
0x11e: {  	v7 =	vld [tilespmem:s1+$0xCC50];
	v12 =	vmul.f32 $8.000000000e+00, v6  }
0x11f: {  	s13 =	simm.s32 $0x200;
	v11 =	vmul.f32 $8.000000000e+00, v11;
	v6 =	vld [tilespmem:s1+$0xCC60]  }
.LBB2_14:
0x120: {  	p0 =	sne.s32 s13, $0xC600;
	v5 =	vadd.f32 v5, v12;
	v10 =	vmul.f32 $8.000000000e+00, v10;
	v12 =	vld [tilespmem:s1+$0xCC70]  }
0x121: {  	v4 =	vadd.f32 v4, v11;
	v9 =	vmul.f32 $8.000000000e+00, v9;
	v11 =	vld [tilespmem:s1+$0x6860]  }
0x122: {  	s17 =	sshra.s32 s13, $0x2;
	[tilespmem:s1+$0xCC00] =	vst v5;
	v3 =	vadd.f32 v3, v10;
	v8 =	vmul.f32 $8.000000000e+00, v8;
	v10 =	vld [tilespmem:s1+$0x6870]  }
0x123: {  	v5 =	vld [tilespmem:s17+$0x6800];
	[tilespmem:s1+$0xCC10] =	vst v4;
	v2 =	vadd.f32 v2, v9;
	v7 =	vmul.f32 $8.000000000e+00, v7  }
0x124: {  	v4 =	vld [tilespmem:s17+$0x6810];
	[tilespmem:s1+$0xCC20] =	vst v3;
	v1 =	vadd.f32 v1, v8;
	v6 =	vmul.f32 $8.000000000e+00, v6  }
0x125: {  	v3 =	vld [tilespmem:s17+$0x6820];
	[tilespmem:s1+$0xCC30] =	vst v2;
	v0 =	vadd.f32 v0, v7;
	v7 =	vmul.f32 $8.000000000e+00, v12  }
0x126: {  	v2 =	vld [tilespmem:s17+$0x6830];
	[tilespmem:s1+$0xCC40] =	vst v1;
	v6 =	vadd.f32 v11, v6  }
0x127: {  	v1 =	vld [tilespmem:s17+$0x6840];
	[tilespmem:s1+$0xCC50] =	vst v0;
	v7 =	vadd.f32 v10, v7  }
0x128: {  	v0 =	vld [tilespmem:s17+$0x6850];
	[tilespmem:s1+$0xCC60] =	vst v6  }
0x129: {  	v6 =	vld [tilespmem:s17+$0xCC00];
	[tilespmem:s1+$0xCC70] =	vst v7;
	s1 =	smov.u32 s17  }
0x12a: {  	v11 =	vld [tilespmem:s1+$0xCC10]  }
.Ltmp6:
0x12b: {  	v10 =	vld [tilespmem:s1+$0xCC20];
	(pc) =	sbr.rel @p0 .LBB2_14-.Ltmp6, $4  }
0x12c: {  	v9 =	vld [tilespmem:s1+$0xCC30]  }
0x12d: {  	v8 =	vld [tilespmem:s1+$0xCC40]  }
0x12e: {  	v12 =	vmul.f32 $8.000000000e+00, v6;
	v7 =	vld [tilespmem:s1+$0xCC50]  }
0x12f: {  	s13 =	sadd.s32 $0x200, s13;
	v11 =	vmul.f32 $8.000000000e+00, v11;
	v6 =	vld [tilespmem:s1+$0xCC60]  }
0x130: {  	v5 =	vadd.f32 v5, v12;
	v56 =	vld [tilespmem:s1+$0xCC70];
	v10 =	vmul.f32 $8.000000000e+00, v10  }
0x131: {  	v13 =	vld [tilespmem:s1+$0x6860];
	v4 =	vadd.f32 v4, v11;
	v9 =	vmul.f32 $8.000000000e+00, v9  }
0x132: {  	v58 =	vld [tilespmem:s1+$0x6870];
	[tilespmem:s1+$0xCC00] =	vst v5;
	v3 =	vadd.f32 v3, v10;
	v57 =	vmul.f32 $8.000000000e+00, v8  }
0x133: {  	[tilespmem:s1+$0xCC10] =	vst v4;
	v2 =	vadd.f32 v2, v9;
	v59 =	vmul.f32 $8.000000000e+00, v7  }
0x134: {  	[tilespmem:s1+$0xCC20] =	vst v3;
	v1 =	vadd.f32 v1, v57;
	v60 =	vmul.f32 $8.000000000e+00, v6  }
0x135: {  	[tilespmem:s1+$0xCC30] =	vst v2;
	v0 =	vadd.f32 v0, v59;
	v61 =	vmul.f32 $8.000000000e+00, v56  }
0x136: {  	[tilespmem:s1+$0xCC40] =	vst v1;
	v62 =	vadd.f32 v13, v60  }
0x137: {  	[tilespmem:s1+$0xCC50] =	vst v0;
	v63 =	vadd.f32 v58, v61  }
0x138: {  	[tilespmem:s1+$0xCC60] =	vst v62  }
0x139: {  	s0 =	sadd.s32 $0x1, s0;
	[tilespmem:s1+$0xCC70] =	vst v63  }
0x13a: {  	[hbm4b:s11+s24] =	stream.strided.scatter [tilespmem:s21], [sflag:$0x2], $0x3200, s25, s24, $0x38;
	[tilespmem:$0xFE00] =	vst v63  }
0x13b: {  	p0 =	sne.s32 s0, s12;
	_ =	swait.ge [sflag:s26], $0x3200  }
.Ltmp7:
0x13c: {  	[sflag:s26] =	ssyncset.done $0x0;
	(pc) =	sbr.rel @p0 .LBB2_1-.Ltmp7, $4  }
0x13d: {  	[sflag:s26] =	ssyncadd.s32 $0xFFFFCE00  }
0x13e: {  	_ =	swait.ge [sflag:s26], $0x3200  }
0x13f: {  	[sflag:s26] =	ssyncset.done $0x0  }
0x140: {  	[sflag:s26] =	ssyncadd.s32 $0xFFFFCE00  }
0x141: {  	_ =	sfence.sel $0x180000  }
0x142: {  	[bflag:$0x0] =	sbarrier.arrive $0xFFFF  }
0x143: {  	_ =	strace $0x90000047  }
0x144: {  	s0 =	stileid.u32;
	[bflag:$0x2] =	sbarrier.arrive $0xFFFF  }
0x145: {  	p0 =	sne.s32 s0, $0x0;
	s0 =	rddreg [dreg:$0x2]  }
0x146: {  	s0 =	sadd.s32 @!p0 $0x100000, s0  }
0x147: {  	[sflag:s0] =	ssyncadd.tile.s32 @!p0 $0x1;
	_ =	shalt  }
.Lfunc_end2:
_tile_overlayer_lowered:
.L_overlay_start_2:
0x148: {  	(tag) =	ssettag $0x2  }
0x149: {  	s0 =	rddreg [dreg:$0x0];
	s2 =	stileid.u32  }
0x14a: {  	s1 =	rddreg [dreg:$0x1];
	p0 =	sne.s32 s2, $0x0  }
0x14b: {  	s3 =	rddreg [dreg:$0x2];
	[bflag:$0x3] =	sbarrier.arrive $0xFFFF;
	s2 =	simm.s32 @!p0 $0x1C03  }
0x14c: {  	[timem:s3], [sflag:s2] =	dma.local @!p0 [hbm:s0], s1  }
0x14d: {  	s0 =	simm.s32 @!p0 $0x3  }
0x14e: {  	_ =	swait.ge @!p0 [sflag:s0], s1  }
0x14f: {  	s1 =	ssub.s32 @!p0 $0x0, s1;
	[sflag:s0] =	ssyncset.done @!p0 $0x0  }
0x150: {  	[sflag:s0] =	ssyncadd.s32 @!p0 s1  }
0x151: {  	[bflag:$0x3] =	sbarrier.arrive $0xFFFF  }
0x152: {  	_ =	shalt  }

// kernel: sparse-core-data-format-call.cloned.1.call-start
scs
called_computation_lowered:
.L_overlay_start_0:
0x0: {  	s2 =	sld [smem:$0x3FD9]  }
0x1: {  	s3 =	sld [smem:$0x3FFE];
	_ =	sdelay $0x1  }
0x2: {  	s1 =	srdreg.scid  }
0x3: {  	s0 =	sand.u32 $0x1, s1  }
0x4: {  	s18 =	sshll.u32 s0, $0xA;
	s2 =	sadd.s32 s3, s2  }
0x5: {  	s2 =	sadd.s32 s2, s18  }
0x6: {  	[smem:$0x3FC5] =	sst s2  }
0x7: {  	_ = 	snop  }
0x8: {  	s2 =	sld [smem:$0x3FD0];
	(tm) =	ssettm $0x1  }
0x9: {  	s19 =	sld [smem:$0x3FFB];
	_ =	sdelay $0x3  }
0xa: {  	_ =	strace s19  }
0xb: {  	s3 =	sld [smem:$0x3FFC];
	_ =	sdelay $0x3  }
0xc: {  	_ =	strace s3  }
0xd: {  	s3 =	sld [smem:$0x3FFD];
	_ =	sdelay $0x3  }
0xe: {  	_ =	strace s3  }
0xf: {  	_ =	strace $0x8FFFFFFF  }
0x10: {  	s20 =	sld [smem:$0x3FDB];
	_ =	sdelay $0x1  }
0x11: {  	s4 =	simm.s32 $_scs_section_size  }
0x12: {  	s5 =	simm.s32 $_size__tile_overlayer_lowered;
	s6 =	simm.s32 $_tile_overlayer_lowered  }
0x13: {  	s23 =	simm.s32 $0x1BFF;
	s22 =	sshll.u32 s6, $0x1;
	s3 =	sadd.s32 s4, s20  }
0x14: {  	s7 =	simm.s32 $0x0;
	s21 =	sshll.u32 s5, $0x1;
	s5 =	sadd.s32 s22, s3  }
0x15: {  	[timem:s7], [sflag:s23] =	dma.local [hbm:s5], s21  }
0x16: {  	_ =	swait.ge [sflag:s23], s21  }
0x17: {  	s4 =	ssub.s32 $0x0, s21;
	[sflag:s23] =	ssyncset.done $0x0  }
0x18: {  	[sflag:s23] =	ssyncadd.s32 s4;
	_ =	sdelay $0x1  }
0x19: {  	s24 =	simm.s32 $0x1B8B  }
0x1a: {  	_ =	swait.ge [sflag:s24], $0x1  }
0x1b: {  	[sflag:s24] =	ssyncset.done $0x0  }
0x1c: {  	s26 =	simm.s32 $0x1B8E;
	s25 =	sld [smem:$0x3FFE];
	[sflag:s24] =	ssyncadd.s32 $0xFFFFFFFF  }
0x1d: {  	s27 =	simm.s32 $execute0_lowered;
	[smem:$0x3FD2] =	sst s26  }
0x1e: {  	s5 =	sshll.u32 s27, $0x1;
	_ =	strace $0x80000049;
	[dreg:$0x1] =	wrdreg $0xFFFFFFFF  }
0x1f: {  	s28 =	simm.s32 $_size_execute0_lowered;
	s3 =	sadd.s32 s3, s5;
	[dreg:$0x0] =	wrdreg $0x0  }
0x20: {  	s5 =	sshll.u32 s28, $0x1;
	[dreg:$0x2] =	wrdreg s3  }
0x21: {  	[dreg:$0x3] =	wrdreg s5  }
0x22: {  	[dreg:$0x4] =	wrdreg $0xC0  }
0x23: {  	_ =	task [dreg:s7], $0x5FFFF  }
0x24: {  	[dreg:$0x1] =	wrdreg $0xFFFFFFFF  }
0x25: {  	[dreg:$0x0] =	wrdreg $0x60  }
0x26: {  	[dreg:$0x2] =	wrdreg s25  }
0x27: {  	[dreg:$0x3] =	wrdreg s2  }
0x28: {  	[dreg:$0x4] =	wrdreg $0x9  }
0x29: {  	_ =	task.clear_ibuf [dreg:s7], $0x5FFFF;
	_ =	strace $0x90000049  }
0x2a: {  	s29 =	simm.s32 $0x9;
	_ =	strace $0x8000004B  }
0x2b: {  	_ =	swait.ge [sflag:s29], $0x1  }
0x2c: {  	[sflag:s29] =	ssyncadd.s32 $0xFFFFFFFF  }
0x2d: {  	_ =	strace $0x9000004B  }
0x2e: {  	_ =	sfence  }
0x2f: {  	s30 =	sld [smem:$0x0];
	_ =	sdelay $0x2  }
0x30: {  	s31 =	sshll.u32 s1, $0xD;
	s1 =	sshrl.u32 s1, $0x2  }
0x31: {  	s3 =	sand.u32 $0x4000, s31;
	s1 =	sadd.s32 s1, s30  }
0x32: {  	s0 =	sor.u32 s3, s0;
	s1 =	sshll.u32 s1, $0x11  }
0x33: {  	s0 =	sor.u32 s1, s0  }
0x34: {  	s0 =	sadd.s32 $0x8F2B, s0  }
0x35: {  	[sflag:s0] =	ssyncadd.remote.s32 $0x1  }
0x36: {  	_ =	sfence.sel $0xFFFF  }
0x37: {  	[dreg:$0x0] =	wrdreg $0xFFFFFFFF;
	(pc) =	sbr.abs _section_cstart, $3  }
0x38: {  	[dreg:$0x1] =	wrdreg $0xFFFFFFFF  }
0x39: {  	_ =	task.clear_ibuf [dreg:s7], $0x2FFFF;
	_ =	strace $0x9FFFFFFF  }
0x3a: {  	(tm) =	ssettm $0x7FFFFFFF  }
0x3b: {  	_ =	shalt  }
tec
execute0_lowered:
.L_overlay_start_1:
0x0: {  	(tag) =	ssettag $0x1  }
0x1: {  	s0 =	srdreg.scid  }
0x2: {  	s1 =	sshll.u32 s0, $0x4  }
0x3: {  	s0 =	stileid.u32;
	s1 =	sand.u32 $0x10, s1  }
0x4: {  	s1 =	sor.u32 s0, s1  }
0x5: {  	s6 =	rddreg [dreg:$0x0];
	s4 =	simm.s32 $0x1;
	s2 =	sshll.u32 s1, $0x7  }
0x6: {  	s7 =	simm.s32 $0x2;
	s12 =	simm.s32 $0x0;
	s1 =	ssub.s32 $0x1000, s2  }
0x7: {  	s8 =	simm.s32 $0x8000;
	s13 =	simm.s32 $0x0;
	s3 =	sand.u32 $0xF80, s1  }
0x8: {  	s9 =	simm.s32 $0x0;
	s5 =	sshrl.u32 s1, $0xC;
	p0 =	sne.s32 s3, $0x0  }
.Ltmp0:
0x9: {  	s1 =	rddreg [dreg:$0x2];
	s4 =	simm.s32 @!p0 $0x0;
	(pc) =	sbr.rel .LBB1_1-.Ltmp0, $4  }
0xa: {  	s11 =	simm.s32 $0x0;
	s3 =	rddreg [dreg:$0x1];
	s5 =	sadd.s32 s4, s5  }
0xb: {  	_ =	strace $0x8000004A;
	s4 =	simm.s32 $0x1;
	s5 =	smul.u32 $0xC8, s5  }
0xc: {  	s6 =	sadd.s32 $0xF43400, s6;
	s10 =	smov.u32 s2;
	[sflag:s4] =	ssyncpa.u1 $0x0  }
0xd: {  	p0 =	por $0x0, $0x0;
	[sflag:s7] =	ssyncpa.u1 $0x0;
	s7 =	sor.u32 $0x1, s5  }
.LBB1_4:
0xe: {  	s16 =	sshll.u32 s13, $0x3;
	s17 =	sand.u32 $0x78, s13  }
0xf: {  	s30 =	sand.u32 $0x7E00, s13;
	s12 =	sshll.u32 s12, $0xF;
	s16 =	sand.u32 $0xC00, s16  }
0x10: {  	[tilespmem:s15+$0x810 ss:$0x81] =	vst.msk $0xffff, v2;
	s31 =	sand.u32 $0x7, s13;
	s16 =	sor.u32 s17, s16;
	s17 =	sadd.s32 s3, s30  }
0x11: {  	[tilespmem:s15+$0x1020 ss:$0x81] =	vst.msk $0xffff, v0;
	s13 =	sshll.u32 s31, $0x12;
	s12 =	sadd.s32 s12, s17;
	s16 =	sshrl.u32 s16, $0x3  }
0x12: {  	[tilespmem:s15+$0x0 ss:$0x81] =	vst.msk $0xffff, v1;
	s13 =	sor.u32 $0x400, s13;
	s12 =	sadd.s32 s16, s12  }
0x13: {  	[hbm4b:s12+s13] =	stream.strided.scatter [tilespmem:s14], [sflag:$0x2], $0x2000, s8, s13, $0x20;
	[tilespmem:$0x8080] =	vst v63  }
.LBB1_5:
0x14: {  	s14 =	sadd.s32 $0x1, s9  }
0x15: {  	s12 =	sadd.s32 $0x1000, s10;
	s16 =	smov.u32 s10;
	p2 =	sgt.s32 s14, $0xC7  }
0x16: {  	s16 =	smov.u32 @p2 s12  }
0x17: {  	s14 =	simm.s32 @p2 $0x0;
	p2 =	sgt.s32 s16, $0xFFF  }
0x18: {  	s16 =	smov.u32 @p2 s2;
	p2 =	sne.s32 s11, s7  }
.Ltmp1:
0x19: {  	p1 =	slt.u32 s11, $0x2;
	(pc) =	sbr.rel @!p2 .LBB1_6-.Ltmp1, $4  }
0x1a: {  	s15 =	simm.s32 @!p1 $0x2  }
0x1b: {  	s13 =	smov.u32 s10;
	p0 =	por !p0, !p0;
	_ =	swait.ge @!p1 [sflag:s15], $0x2000  }
0x1c: {  	s12 =	smov.u32 s9;
	[sflag:s15] =	ssyncset.done @!p1 $0x0;
	s9 =	smov.u32 s14  }
0x1d: {  	s11 =	sadd.s32 $0x1, s11;
	[sflag:s15] =	ssyncadd.s32 @!p1 $0xFFFFE000;
	s10 =	smov.u32 s16  }
.LBB1_1:
0x1e: {  	p1 =	sge.u32 s11, s5  }
0x1f: {  	s14 =	sand.u32 @!p1 $0x1FFFFFF, s9  }
0x20: {  	s15 =	smulhi.u32 @!p1 $0x147AE15, s14;
	_ =	sdelay $0x1  }
0x21: {  	s15 =	smul.u32 @!p1 $0xC8, s15  }
0x22: {  	s16 =	sxor.u32 @!p1 $0xFFFFFFFF, s11;
	s17 =	smul.u32 @!p1 $0xC80, s10  }
0x23: {  	s31 =	sadd.s32 $0xFFFFFFFF, s11;
	s16 =	sshll.u32 @!p1 s16, $0xD;
	s14 =	ssub.s32 @!p1 s14, s15  }
0x24: {  	s15 =	sand.u32 @!p1 $0x2000, s16;
	s16 =	sadd.s32 @!p1 s6, s17;
	s14 =	sshll.u32 @!p1 s14, $0x4  }
0x25: {  	s17 =	simm.s32 @!p1 $0x6400;
	s14 =	sadd.s32 @!p1 s14, s16;
	s16 =	simm.s32 @!p1 $0x40  }
0x26: {  	[tilespmem:s15], [sflag:$0x1] =	stream.strided.gather @!p1 [hbm4b:s14+s16], $0x2000, s17, s16, $0x38;
	[tilespmem:$0x8080] =	vst v63  }
0x27: {  	p1 =	sge.u32 s31, s5  }
.Ltmp2:
0x28: {  	_ = 	snop;
	(pc) =	sbr.rel @p1 .LBB1_5-.Ltmp2, $1  }
0x29: {  	_ =	sdelay $0x3  }
0x2a: {  	s14 =	simm.s32 $0x1  }
0x2b: {  	_ =	swait.ge [sflag:s4], $0x2000;
	s14 =	simm.s32 @!p0 $0x0  }
0x2c: {  	[sflag:s4] =	ssyncset.done $0x0;
	s15 =	sshll.u32 s14, $0xD  }
0x2d: {  	[sflag:s4] =	ssyncadd.s32 $0xFFFFE000;
	s18 =	sor.u32 $0x20, s15  }
0x2e: {  	s14 =	smul.u32 $0x8100, s14;
	v3 =	vld [tilespmem:s18+$0x10]  }
0x2f: {  	s30 =	sand.u32 $0x1, s11;
	v2 =	vld [tilespmem:s18+$0xFFFFFFF0]  }
0x30: {  	s15 =	smul.u32 $0x8100, s30;
	s14 =	sshrl.u32 s14, $0x2;
	v0 =	vld [tilespmem:s18+$0x0]  }
0x31: {  	v1 =	vld [tilespmem:s18+$0xFFFFFFE0];
	s16 =	sor.u32 $0x4000, s14  }
0x32: {  	s31 =	sshrl.u32 s15, $0x2;
	s15 =	sadd.s32 $0x0, s16  }
0x33: {  	s17 =	simm.s32 $0x4;
	s18 =	sadd.s32 $0x40, s18;
	s14 =	sor.u32 $0x4000, s31;
	[tilespmem:s15+$0x1830 ss:$0x81] =	vst.msk $0xffff, v3  }
.LBB1_3:
0x34: {  	v3 =	vld [tilespmem:s18+$0x10];
	p1 =	sne.s32 s17, $0x1FC;
	[tilespmem:s15+$0x810 ss:$0x81] =	vst.msk $0xffff, v2;
	s19 =	smov.u32 s17;
	s17 =	sadd.s32 $0x4, s17  }
.Ltmp3:
0x35: {  	v2 =	vld [tilespmem:s18+$0xFFFFFFF0];
	[tilespmem:s15+$0x1020 ss:$0x81] =	vst.msk $0xffff, v0;
	(pc) =	sbr.rel @p1 .LBB1_3-.Ltmp3, $4  }
0x36: {  	v0 =	vld [tilespmem:s18+$0x0];
	[tilespmem:s15+$0x0 ss:$0x81] =	vst.msk $0xffff, v1  }
0x37: {  	s15 =	sshra.s32 s19, $0x2;
	v1 =	vld [tilespmem:s18+$0xFFFFFFE0]  }
0x38: {  	s15 =	sadd.s32 s15, s16  }
0x39: {  	s18 =	sadd.s32 $0x40, s18;
	[tilespmem:s15+$0x1830 ss:$0x81] =	vst.msk $0xffff, v3  }
.Ltmp4:
0x3a: {  	_ = 	snop;
	(pc) =	sbr.rel .LBB1_4-.Ltmp4, $1  }
0x3b: {  	_ =	sdelay $0x3  }
.LBB1_6:
0x3c: {  	_ =	sfence.sel $0x180000  }
0x3d: {  	s2 =	simm.s32 $0x1;
	[bflag:$0x0] =	sbarrier.arrive $0xFFFF  }
0x3e: {  	s31 =	simm.s32 $0x2;
	[sflag:s2] =	ssyncpa.u1 $0x1  }
0x3f: {  	[sflag:s31] =	ssyncpa.u1 $0x1  }
0x40: {  	p0 =	sne.s32 s0, $0x0;
	_ =	strace $0x9000004A  }
0x41: {  	s0 =	sadd.s32 @!p0 $0x100000, s1;
	[bflag:$0x2] =	sbarrier.arrive $0xFFFF  }
0x42: {  	[sflag:s0] =	ssyncadd.tile.s32 @!p0 $0x1;
	_ =	shalt  }
.Lfunc_end1:
_tile_overlayer_lowered:
.L_overlay_start_2:
0x43: {  	(tag) =	ssettag $0x2  }
0x44: {  	s0 =	rddreg [dreg:$0x0];
	s2 =	stileid.u32  }
0x45: {  	s1 =	rddreg [dreg:$0x1];
	p0 =	sne.s32 s2, $0x0  }
0x46: {  	s3 =	rddreg [dreg:$0x2];
	[bflag:$0x3] =	sbarrier.arrive $0xFFFF;
	s2 =	simm.s32 @!p0 $0x1C01  }
0x47: {  	[timem:s3], [sflag:s2] =	dma.local @!p0 [hbm:s0], s1  }
0x48: {  	s0 =	simm.s32 @!p0 $0x1  }
0x49: {  	_ =	swait.ge @!p0 [sflag:s0], s1  }
0x4a: {  	s1 =	ssub.s32 @!p0 $0x0, s1;
	[sflag:s0] =	ssyncset.done @!p0 $0x0  }
0x4b: {  	[sflag:s0] =	ssyncadd.s32 @!p0 s1  }
0x4c: {  	[bflag:$0x3] =	sbarrier.arrive $0xFFFF  }
0x4d: {  	_ =	shalt  }

</sc_bundles>
